<compile_context>
chip_gen: v7x
topology: tpu7x:2x2x1
jax: 0.10.2.dev20260603
libtpu: 0.0.44.dev20260713+nightly
codegen_flags: <defaults>
</compile_context>

<pallas_src>
import functools

import jax
import jax.numpy as jnp
from jax import lax
from jax.experimental import pallas as pl
from jax.experimental.pallas import tpu as pltpu
from jax.experimental.pallas import tpu_sc as plsc

B, C, H, W = 16, 80, 128, 128
HW = H * W
N = B * HW
P = 2048
ALPHA, GAMMA = 0.25, 2.0

RB = 8192
TOT_ROWS = (B * C * H * W) // 128
HALF_ROWS = TOT_ROWS // 2
NBLK = HALF_ROWS // RB
NROW = 11


def _sc_info():
    try:
        info = plsc.get_sparse_core_info()
        return info.num_cores, info.num_subcores
    except Exception:
        return 2, 16


def _make_sc_gather():
    NC, NS = _sc_info()
    NW = NC * NS
    PB = P // NW

    mesh = plsc.VectorSubcoreMesh(core_axis_name="c", subcore_axis_name="s")

    @functools.partial(
        pl.kernel,
        mesh=mesh,
        out_type=jax.ShapeDtypeStruct((NROW, P), jnp.float32),
        scratch_types=[
            pltpu.VMEM((PB,), jnp.int32),
            pltpu.VMEM((PB,), jnp.int32),
            pltpu.VMEM((PB,), jnp.int32),
            pltpu.VMEM((4 * PB,), jnp.int32),
            pltpu.VMEM((PB,), jnp.float32),
            pltpu.VMEM((4 * PB,), jnp.float32),
            pltpu.SemaphoreType.DMA,
        ],
    )
    def sc_gather(pos_hbm, lab_hbm, logit_hbm, box_hbm, ctr_hbm, tgt_hbm,
                  out_hbm, pos_v, lab_v, idx_v, idx4_v, f_v, f4_v, sem):
        wid = lax.axis_index("s") * NC + lax.axis_index("c")
        base = wid * PB
        pltpu.sync_copy(pos_hbm.at[pl.ds(base, PB)], pos_v)
        pltpu.async_copy(lab_hbm.at[pos_v], lab_v, sem).wait()

        for j in range(PB // 16):
            p = pos_v[pl.ds(j * 16, 16)]
            f_v[pl.ds(j * 16, 16)] = p.astype(jnp.float32)
        pltpu.sync_copy(f_v, out_hbm.at[10, pl.ds(base, PB)])

        pltpu.async_copy(ctr_hbm.at[pos_v], f_v, sem).wait()
        pltpu.sync_copy(f_v, out_hbm.at[1, pl.ds(base, PB)])

        for j in range(PB // 16):
            p = pos_v[pl.ds(j * 16, 16)]
            lb = lab_v[pl.ds(j * 16, 16)]
            b_ = lax.shift_right_logical(p, 14)
            hw = lax.bitwise_and(p, HW - 1)
            idx_v[pl.ds(j * 16, 16)] = b_ * (C * HW) + lb * HW + hw
        pltpu.async_copy(logit_hbm.at[idx_v], f_v, sem).wait()
        pltpu.sync_copy(f_v, out_hbm.at[0, pl.ds(base, PB)])

        for k in range(4):
            for j in range(PB // 16):
                p = pos_v[pl.ds(j * 16, 16)]
                b_ = lax.shift_right_logical(p, 14)
                hw = lax.bitwise_and(p, HW - 1)
                idx4_v[pl.ds(k * PB + j * 16, 16)] = (b_ * 4 + k) * HW + hw
        pltpu.async_copy(box_hbm.at[idx4_v], f4_v, sem).wait()
        for k in range(4):
            pltpu.sync_copy(f4_v.at[pl.ds(k * PB, PB)],
                            out_hbm.at[2 + k, pl.ds(base, PB)])

        for k in range(4):
            for j in range(PB // 16):
                p = pos_v[pl.ds(j * 16, 16)]
                idx4_v[pl.ds(k * PB + j * 16, 16)] = p * 4 + k
        pltpu.async_copy(tgt_hbm.at[idx4_v], f4_v, sem).wait()
        for k in range(4):
            pltpu.sync_copy(f4_v.at[pl.ds(k * PB, PB)],
                            out_hbm.at[6 + k, pl.ds(base, PB)])

    return sc_gather


NSPLIT = 2
NBI = NBLK // NSPLIT


def _f0sum(x):
    u = jnp.exp(-x)
    w = 1.0 + u
    r = 1.0 / w
    t = (x + jnp.log(w)) * r * r
    return jnp.sum(t.reshape(RB // 8, 8, 128), axis=0)[None]


def _tc_sum_body(la_ref, lb_ref, out_ref):
    i = pl.program_id(1)

    @pl.when(i == 0)
    def _init():
        out_ref[...] = jnp.zeros((1, 8, 128), jnp.float32)

    out_ref[...] += _f0sum(la_ref[0]) + _f0sum(lb_ref[0])


def _tc_final_body(gath_ref, part_ref, out_ref):
    if True:
        g = gath_ref[...]
        xg = g[0]
        ug = jnp.exp(-xg)
        wg = 1.0 + ug
        rg = 1.0 / wg
        lwg = jnp.log(wg)
        f0 = (1.0 - ALPHA) * (xg + lwg) * rg * rg
        f1 = ALPHA * lwg * (ug * rg) * (ug * rg)

        pf = g[10]
        prev_in_row = jnp.concatenate(
            [jnp.full((16, 1), -1.0, jnp.float32), pf[:, :-1]], axis=1)
        row_carry = jnp.concatenate(
            [jnp.full((1, 1), -1.0, jnp.float32), pf[:-1, 127:128]], axis=0)
        ci = lax.broadcasted_iota(jnp.int32, (16, 128), 1)
        prev = jnp.where(ci == 0, row_carry, prev_in_row)
        corr = jnp.sum(jnp.where(pf != prev, f1 - f0, 0.0))
        dense = (1.0 - ALPHA) * jnp.sum(part_ref[...])
        loss_cls = (dense + corr) / float(P)

        lp, tp, rp, bp = g[2], g[3], g[4], g[5]
        lt, tt, rt, bt = g[6], g[7], g[8], g[9]
        lr_min = jnp.minimum(lt, rt)
        lr_max = jnp.maximum(lt, rt)
        tb_min = jnp.minimum(tt, bt)
        tb_max = jnp.maximum(tt, bt)
        ctr_tgt = jnp.sqrt((lr_min / lr_max) * (tb_min / tb_max))
        denom = jnp.maximum(jnp.sum(ctr_tgt), 1e-6)
        target_area = (lt + rt) * (tt + bt)
        pred_area = (lp + rp) * (tp + bp)
        w_int = jnp.minimum(lp, lt) + jnp.minimum(rp, rt)
        h_int = jnp.minimum(tp, tt) + jnp.minimum(bp, bt)
        g_w = jnp.maximum(lp, lt) + jnp.maximum(rp, rt)
        g_h = jnp.maximum(tp, tt) + jnp.maximum(bp, bt)
        ac = g_w * g_h + 1e-7
        area_int = w_int * h_int
        area_union = target_area + pred_area - area_int
        ious = (area_int + 1.0) / (area_union + 1.0)
        gious = ious - (ac - area_union) / ac
        loss_box = jnp.sum((1.0 - gious) * ctr_tgt) / denom

        cp = g[1]
        bce = (jnp.maximum(cp, 0.0) - cp * ctr_tgt
               + jnp.log1p(jnp.exp(-jnp.abs(cp))))
        loss_ctr = jnp.sum(bce) / float(P)

        ri = lax.broadcasted_iota(jnp.int32, (8, 128), 0)
        cj = lax.broadcasted_iota(jnp.int32, (8, 128), 1)
        res = jnp.where(
            (ri == 0) & (cj == 0), loss_cls,
            jnp.where((ri == 0) & (cj == 1), loss_box,
                      jnp.where((ri == 0) & (cj == 2), loss_ctr, 0.0)))
        out_ref[...] = res


def _tc_call(g3, logits2d):
    l3 = logits2d.reshape(2, HALF_ROWS, 128)
    partials = pl.pallas_call(
        _tc_sum_body,
        grid=(NSPLIT, NBI),
        in_specs=[
            pl.BlockSpec((1, RB, 128), lambda s, i: (0, s * NBI + i, 0)),
            pl.BlockSpec((1, RB, 128), lambda s, i: (1, s * NBI + i, 0)),
        ],
        out_specs=pl.BlockSpec((1, 8, 128), lambda s, i: (s, 0, 0)),
        out_shape=jax.ShapeDtypeStruct((NSPLIT, 8, 128), jnp.float32),
        compiler_params=pltpu.CompilerParams(
            dimension_semantics=("parallel", "arbitrary")),
    )(l3, l3)
    return pl.pallas_call(
        _tc_final_body,
        grid=(1,),
        in_specs=[
            pl.BlockSpec((NROW, 16, 128), lambda i: (0, 0, 0)),
            pl.BlockSpec((NSPLIT, 8, 128), lambda i: (0, 0, 0)),
        ],
        out_specs=pl.BlockSpec((8, 128), lambda i: (0, 0)),
        out_shape=jax.ShapeDtypeStruct((8, 128), jnp.float32),
    )(g3, partials)


def kernel(logits, box2d_reg, centerness, labels, box2d_reg_targets, pos_inds):
    logits_flat = logits.reshape(-1)
    box_flat = box2d_reg.reshape(-1)
    ctr_flat = centerness.reshape(-1)
    tgt_flat = box2d_reg_targets.reshape(-1)
    pos = pos_inds.astype(jnp.int32)
    labs = labels.astype(jnp.int32)

    sc_gather = _make_sc_gather()
    g = sc_gather(pos, labs, logits_flat, box_flat, ctr_flat, tgt_flat)
    g3 = g.reshape(NROW, 16, 128)
    out = _tc_call(g3, logits_flat.reshape(TOT_ROWS, 128))
    return out[0, :3]

# --- scband reference (transcript-rebuilt; emitter-appended) ---
"""Pipeline reference for scband-fcos2-dloss-2628519985370 (READ-ONLY COPY).

The authoritative reference and input builder live on the scoring server;
editing this copy changes nothing except your own understanding.
"""

import jax, jax.numpy as jnp
import numpy as np

B, C, H, W = 16, 80, 128, 128
N = B * H * W
P = 2048
ALPHA, GAMMA = 0.25, 2.0

def setup_inputs(seed: int = 0):
    key = jax.random.key(seed)
    ks = jax.random.split(key, 6)
    logits = jax.random.normal(ks[0], (B, C, H, W), dtype=jnp.float32)
    box2d_reg = jax.random.normal(ks[1], (B, 4, H, W), dtype=jnp.float32)
    centerness = jax.random.normal(ks[2], (B, 1, H, W), dtype=jnp.float32)
    labels = jax.random.randint(ks[3], (N,), 0, C)
    box2d_reg_targets = jax.random.uniform(ks[4], (N, 4), dtype=jnp.float32)
    pos_inds = jnp.sort(jax.random.randint(ks[5], (P,), 0, N))
    return {"logits": logits, "box2d_reg": box2d_reg, "centerness": centerness, "labels": labels, "box2d_reg_targets": box2d_reg_targets, "pos_inds": pos_inds}

def _bce_logits(x, y):
    return jnp.maximum(x, 0.0) - x * y + jnp.log1p(jnp.exp(-jnp.abs(x)))

def _fcos_losses(logits, box2d_reg, centerness, box2d_reg_targets, labels, pos_inds):
    # single-level FPN list flattened (cat over one level)
    logits_f = jnp.transpose(logits, (0, 2, 3, 1)).reshape(-1, C)
    box_pred = jnp.transpose(box2d_reg, (0, 2, 3, 1)).reshape(-1, 4)
    ctr_pred = jnp.transpose(centerness, (0, 2, 3, 1)).reshape(-1)
    num_pos_avg = float(max(P, 1.0))  # world_size=1, reduce_sum is identity
    cls_target = jnp.zeros_like(logits_f).at[pos_inds, labels[pos_inds]].set(1.0)
    # sigmoid focal loss (sum)
    p = jax.nn.sigmoid(logits_f)
    ce = _bce_logits(logits_f, cls_target)
    p_t = p * cls_target + (1.0 - p) * (1.0 - cls_target)
    fl = ce * (1.0 - p_t) ** GAMMA
    alpha_t = ALPHA * cls_target + (1.0 - ALPHA) * (1.0 - cls_target)
    loss_cls = jnp.sum(alpha_t * fl) / num_pos_avg
    bp = box_pred[pos_inds]
    bt = box2d_reg_targets[pos_inds]
    cp = ctr_pred[pos_inds]
    l_t, t_t, r_t, b_t = bt[:, 0], bt[:, 1], bt[:, 2], bt[:, 3]
    lr_min = jnp.minimum(l_t, r_t); lr_max = jnp.maximum(l_t, r_t)
    tb_min = jnp.minimum(t_t, b_t); tb_max = jnp.maximum(t_t, b_t)
    ctr_tgt = jnp.sqrt((lr_min / lr_max) * (tb_min / tb_max))
    loss_denom = jnp.maximum(jnp.sum(ctr_tgt), 1e-6)
    # GIoU loss (FCOS ltrb-distance parameterization), centerness-weighted, sum
    l_p, t_p, r_p, b_p = bp[:, 0], bp[:, 1], bp[:, 2], bp[:, 3]
    target_area = (l_t + r_t) * (t_t + b_t)
    pred_area = (l_p + r_p) * (t_p + b_p)
    w_int = jnp.minimum(l_p, l_t) + jnp.minimum(r_p, r_t)
    h_int = jnp.minimum(t_p, t_t) + jnp.minimum(b_p, b_t)
    g_w = jnp.maximum(l_p, l_t) + jnp.maximum(r_p, r_t)
    g_h = jnp.maximum(t_p, t_t) + jnp.maximum(b_p, b_t)
    ac = g_w * g_h + 1e-7
    area_int = w_int * h_int
    area_union = target_area + pred_area - area_int
    ious = (area_int + 1.0) / (area_union + 1.0)
    gious = ious - (ac - area_union) / ac
    loss_box = jnp.sum((1.0 - gious) * ctr_tgt) / loss_denom
    loss_ctr = jnp.sum(_bce_logits(cp, ctr_tgt)) / num_pos_avg
    return jnp.stack([loss_cls, loss_box, loss_ctr])

def reference(logits, box2d_reg, centerness, labels, box2d_reg_targets, pos_inds):
    return _fcos_losses(logits, box2d_reg, centerness, box2d_reg_targets, labels, pos_inds)

if __name__ == "__main__":
    import jax
    _d = setup_inputs()
    print(jax.jit(kernel)(*tuple(_d.values())))

</pallas_src>

<mosaic_0001>
#map = affine_map<(d0, d1) -> (0)>
#map1 = affine_map<(d0, d1) -> (0, 0)>
module attributes {stable_mosaic.version = 14 : i64} {
  func.func @sc_gather(%arg0: i32, %arg1: i32, %arg2: memref<2048xi32, #tpu.memory_space<hbm>>, %arg3: memref<262144xi32, #tpu.memory_space<hbm>>, %arg4: memref<20971520xf32, #tpu.memory_space<hbm>>, %arg5: memref<1048576xf32, #tpu.memory_space<hbm>>, %arg6: memref<262144xf32, #tpu.memory_space<hbm>>, %arg7: memref<1048576xf32, #tpu.memory_space<hbm>>, %arg8: memref<11x2048xf32, #tpu.memory_space<hbm>>, %arg9: memref<64xi32, #tpu.memory_space<vmem>>, %arg10: memref<64xi32, #tpu.memory_space<vmem>>, %arg11: memref<64xi32, #tpu.memory_space<vmem>>, %arg12: memref<256xi32, #tpu.memory_space<vmem>>, %arg13: memref<64xf32, #tpu.memory_space<vmem>>, %arg14: memref<256xf32, #tpu.memory_space<vmem>>, %arg15: memref<!tpu.dma_semaphore, #tpu.memory_space<semaphore_mem>>) attributes {dimension_semantics = [#tpu.dimension_semantics<core_parallel>, #tpu.dimension_semantics<subcore_parallel>], iteration_bounds = array<i64: 2, 16>, scalar_prefetch = 0 : i64, scratch_operands = 7 : i64, tpu.core_type = #tpu.core_type<sc_vector_subcore>, window_params = [{transform_indices = #map}, {transform_indices = #map}, {transform_indices = #map}, {transform_indices = #map}, {transform_indices = #map}, {transform_indices = #map}, {transform_indices = #map1}]} {
    %mul3A = arith.constant 2 : i32
    %mul3A_0 = arith.muli %arg1, %mul3A : i32
    %add3A = arith.addi %mul3A_0, %arg0 : i32
    %mul3A_1 = arith.constant 64 : i32
    %mul3A_2 = arith.muli %add3A, %mul3A_1 : i32
    "tpu.region"() ({
      %run_scoped3A_730 = tpu.sem_alloc : memref<!tpu.dma_semaphore, #tpu.memory_space<semaphore_mem>>
      %dma_start3A_731 = tpu.memref_slice %arg2[%mul3A_2] : memref<2048xi32, #tpu.memory_space<hbm>> -> memref<64xi32, #tpu.memory_space<hbm>>
      %dma_start3A_732 = tpu.memref_slice %arg2[%mul3A_2] : memref<2048xi32, #tpu.memory_space<hbm>> -> memref<64xi32, #tpu.memory_space<hbm>>
      tpu.enqueue_dma source(%dma_start3A_732 : memref<64xi32, #tpu.memory_space<hbm>>) target(%arg9 : memref<64xi32, #tpu.memory_space<vmem>>) target_semaphore(%run_scoped3A_730 : memref<!tpu.dma_semaphore, #tpu.memory_space<semaphore_mem>>)
      %dma_wait3A_733 = tpu.memref_slice %arg2[%mul3A_2] : memref<2048xi32, #tpu.memory_space<hbm>> -> memref<64xi32, #tpu.memory_space<hbm>>
      %dma_wait3A_734 = tpu.memref_slice %arg2[%mul3A_2] : memref<2048xi32, #tpu.memory_space<hbm>> -> memref<64xi32, #tpu.memory_space<hbm>>
      tpu.wait_dma2 semaphore(%run_scoped3A_730 : memref<!tpu.dma_semaphore, #tpu.memory_space<semaphore_mem>>) src(%dma_wait3A_734 : memref<64xi32, #tpu.memory_space<hbm>>) dst(%arg9 : memref<64xi32, #tpu.memory_space<vmem>>)
      tpu.yield
    }) : () -> ()
    %dma_start3A = arith.constant 0 : i32
    %dma_start3A_3 = tpu.memref_slice %arg3[%dma_start3A] : memref<262144xi32, #tpu.memory_space<hbm>> -> memref<262144xi32, #tpu.memory_space<hbm>>
    tpu.enqueue_indirect_dma source(%dma_start3A_3 : memref<262144xi32, #tpu.memory_space<hbm>>) target(%arg10 : memref<64xi32, #tpu.memory_space<vmem>>) offsets(%arg9 : memref<64xi32, #tpu.memory_space<vmem>>) semaphore(%arg15 : memref<!tpu.dma_semaphore, #tpu.memory_space<semaphore_mem>>)
    %dma_wait3A = arith.constant 0 : i32
    %dma_wait3A_4 = tpu.memref_slice %arg3[%dma_wait3A] : memref<262144xi32, #tpu.memory_space<hbm>> -> memref<262144xi32, #tpu.memory_space<hbm>>
    tpu.wait_indirect_dma semaphore(%arg15 : memref<!tpu.dma_semaphore, #tpu.memory_space<semaphore_mem>>) src(%dma_wait3A_4 : memref<262144xi32, #tpu.memory_space<hbm>>) dst(%arg10 : memref<64xi32, #tpu.memory_space<vmem>>)
    %get3A = arith.constant 0 : index
    %get3A_5 = tpu.vector_load %arg9[%get3A] {strides = array<i32>} : memref<64xi32, #tpu.memory_space<vmem>>, vector<16xi32>,
    %get3A_6 = vector.shape_cast %get3A_5 : vector<16xi32> to vector<16xi32>
    %convert_element_type3A = arith.sitofp %get3A_6 : vector<16xi32> to vector<16xf32>
    %swap3A = arith.constant 0 : index
    %swap3A_7 = tpu.vector_load %arg13[%swap3A] {strides = array<i32>} : memref<64xf32, #tpu.memory_space<vmem>>, vector<16xf32>,
    %swap3A_8 = vector.shape_cast %swap3A_7 : vector<16xf32> to vector<16xf32>
    %swap3A_9 = vector.shape_cast %convert_element_type3A : vector<16xf32> to vector<16xf32>
    tpu.vector_store %arg13[%swap3A], %swap3A_9 {strides = array<i32>} : memref<64xf32, #tpu.memory_space<vmem>>, vector<16xf32>,
    %get3A_10 = arith.constant 16 : index
    %get3A_11 = tpu.vector_load %arg9[%get3A_10] {strides = array<i32>} : memref<64xi32, #tpu.memory_space<vmem>>, vector<16xi32>,
    %get3A_12 = vector.shape_cast %get3A_11 : vector<16xi32> to vector<16xi32>
    %convert_element_type3A_13 = arith.sitofp %get3A_12 : vector<16xi32> to vector<16xf32>
    %swap3A_14 = arith.constant 16 : index
    %swap3A_15 = tpu.vector_load %arg13[%swap3A_14] {strides = array<i32>} : memref<64xf32, #tpu.memory_space<vmem>>, vector<16xf32>,
    %swap3A_16 = vector.shape_cast %swap3A_15 : vector<16xf32> to vector<16xf32>
    %swap3A_17 = vector.shape_cast %convert_element_type3A_13 : vector<16xf32> to vector<16xf32>
    tpu.vector_store %arg13[%swap3A_14], %swap3A_17 {strides = array<i32>} : memref<64xf32, #tpu.memory_space<vmem>>, vector<16xf32>,
    %get3A_18 = arith.constant 32 : index
    %get3A_19 = tpu.vector_load %arg9[%get3A_18] {strides = array<i32>} : memref<64xi32, #tpu.memory_space<vmem>>, vector<16xi32>,
    %get3A_20 = vector.shape_cast %get3A_19 : vector<16xi32> to vector<16xi32>
    %convert_element_type3A_21 = arith.sitofp %get3A_20 : vector<16xi32> to vector<16xf32>
    %swap3A_22 = arith.constant 32 : index
    %swap3A_23 = tpu.vector_load %arg13[%swap3A_22] {strides = array<i32>} : memref<64xf32, #tpu.memory_space<vmem>>, vector<16xf32>,
    %swap3A_24 = vector.shape_cast %swap3A_23 : vector<16xf32> to vector<16xf32>
    %swap3A_25 = vector.shape_cast %convert_element_type3A_21 : vector<16xf32> to vector<16xf32>
    tpu.vector_store %arg13[%swap3A_22], %swap3A_25 {strides = array<i32>} : memref<64xf32, #tpu.memory_space<vmem>>, vector<16xf32>,
    %get3A_26 = arith.constant 48 : index
    %get3A_27 = tpu.vector_load %arg9[%get3A_26] {strides = array<i32>} : memref<64xi32, #tpu.memory_space<vmem>>, vector<16xi32>,
    %get3A_28 = vector.shape_cast %get3A_27 : vector<16xi32> to vector<16xi32>
    %convert_element_type3A_29 = arith.sitofp %get3A_28 : vector<16xi32> to vector<16xf32>
    %swap3A_30 = arith.constant 48 : index
    %swap3A_31 = tpu.vector_load %arg13[%swap3A_30] {strides = array<i32>} : memref<64xf32, #tpu.memory_space<vmem>>, vector<16xf32>,
    %swap3A_32 = vector.shape_cast %swap3A_31 : vector<16xf32> to vector<16xf32>
    %swap3A_33 = vector.shape_cast %convert_element_type3A_29 : vector<16xf32> to vector<16xf32>
    tpu.vector_store %arg13[%swap3A_30], %swap3A_33 {strides = array<i32>} : memref<64xf32, #tpu.memory_space<vmem>>, vector<16xf32>,
    %run_scoped3A = arith.constant 10 : i32
    "tpu.region"() ({
      %run_scoped3A_730 = tpu.sem_alloc : memref<!tpu.dma_semaphore, #tpu.memory_space<semaphore_mem>>
      %dma_start3A_731 = tpu.memref_slice %arg8[%run_scoped3A, %mul3A_2] : memref<11x2048xf32, #tpu.memory_space<hbm>> -> memref<1x64xf32, #tpu.memory_space<hbm>>
      %dma_start3A_732 = tpu.memref_squeeze %dma_start3A_731 : memref<1x64xf32, #tpu.memory_space<hbm>> -> memref<64xf32, #tpu.memory_space<hbm>>
      %dma_start3A_733 = tpu.memref_slice %arg8[%run_scoped3A, %mul3A_2] : memref<11x2048xf32, #tpu.memory_space<hbm>> -> memref<1x64xf32, #tpu.memory_space<hbm>>
      %dma_start3A_734 = tpu.memref_squeeze %dma_start3A_733 : memref<1x64xf32, #tpu.memory_space<hbm>> -> memref<64xf32, #tpu.memory_space<hbm>>
      tpu.enqueue_dma source(%arg13 : memref<64xf32, #tpu.memory_space<vmem>>) target(%dma_start3A_734 : memref<64xf32, #tpu.memory_space<hbm>>) target_semaphore(%run_scoped3A_730 : memref<!tpu.dma_semaphore, #tpu.memory_space<semaphore_mem>>)
      %dma_wait3A_735 = tpu.memref_slice %arg8[%run_scoped3A, %mul3A_2] : memref<11x2048xf32, #tpu.memory_space<hbm>> -> memref<1x64xf32, #tpu.memory_space<hbm>>
      %dma_wait3A_736 = tpu.memref_squeeze %dma_wait3A_735 : memref<1x64xf32, #tpu.memory_space<hbm>> -> memref<64xf32, #tpu.memory_space<hbm>>
      %dma_wait3A_737 = tpu.memref_slice %arg8[%run_scoped3A, %mul3A_2] : memref<11x2048xf32, #tpu.memory_space<hbm>> -> memref<1x64xf32, #tpu.memory_space<hbm>>
      %dma_wait3A_738 = tpu.memref_squeeze %dma_wait3A_737 : memref<1x64xf32, #tpu.memory_space<hbm>> -> memref<64xf32, #tpu.memory_space<hbm>>
      tpu.wait_dma2 semaphore(%run_scoped3A_730 : memref<!tpu.dma_semaphore, #tpu.memory_space<semaphore_mem>>) src(%arg13 : memref<64xf32, #tpu.memory_space<vmem>>) dst(%dma_wait3A_738 : memref<64xf32, #tpu.memory_space<hbm>>)
      tpu.yield
    }) : () -> ()
    %dma_start3A_34 = arith.constant 0 : i32
    %dma_start3A_35 = tpu.memref_slice %arg6[%dma_start3A_34] : memref<262144xf32, #tpu.memory_space<hbm>> -> memref<262144xf32, #tpu.memory_space<hbm>>
    tpu.enqueue_indirect_dma source(%dma_start3A_35 : memref<262144xf32, #tpu.memory_space<hbm>>) target(%arg13 : memref<64xf32, #tpu.memory_space<vmem>>) offsets(%arg9 : memref<64xi32, #tpu.memory_space<vmem>>) semaphore(%arg15 : memref<!tpu.dma_semaphore, #tpu.memory_space<semaphore_mem>>)
    %dma_wait3A_36 = arith.constant 0 : i32
    %dma_wait3A_37 = tpu.memref_slice %arg6[%dma_wait3A_36] : memref<262144xf32, #tpu.memory_space<hbm>> -> memref<262144xf32, #tpu.memory_space<hbm>>
    tpu.wait_indirect_dma semaphore(%arg15 : memref<!tpu.dma_semaphore, #tpu.memory_space<semaphore_mem>>) src(%dma_wait3A_37 : memref<262144xf32, #tpu.memory_space<hbm>>) dst(%arg13 : memref<64xf32, #tpu.memory_space<vmem>>)
    %run_scoped3A_38 = arith.constant 1 : i32
    "tpu.region"() ({
      %run_scoped3A_730 = tpu.sem_alloc : memref<!tpu.dma_semaphore, #tpu.memory_space<semaphore_mem>>
      %dma_start3A_731 = tpu.memref_slice %arg8[%run_scoped3A_38, %mul3A_2] : memref<11x2048xf32, #tpu.memory_space<hbm>> -> memref<1x64xf32, #tpu.memory_space<hbm>>
      %dma_start3A_732 = tpu.memref_squeeze %dma_start3A_731 : memref<1x64xf32, #tpu.memory_space<hbm>> -> memref<64xf32, #tpu.memory_space<hbm>>
      %dma_start3A_733 = tpu.memref_slice %arg8[%run_scoped3A_38, %mul3A_2] : memref<11x2048xf32, #tpu.memory_space<hbm>> -> memref<1x64xf32, #tpu.memory_space<hbm>>
      %dma_start3A_734 = tpu.memref_squeeze %dma_start3A_733 : memref<1x64xf32, #tpu.memory_space<hbm>> -> memref<64xf32, #tpu.memory_space<hbm>>
      tpu.enqueue_dma source(%arg13 : memref<64xf32, #tpu.memory_space<vmem>>) target(%dma_start3A_734 : memref<64xf32, #tpu.memory_space<hbm>>) target_semaphore(%run_scoped3A_730 : memref<!tpu.dma_semaphore, #tpu.memory_space<semaphore_mem>>)
      %dma_wait3A_735 = tpu.memref_slice %arg8[%run_scoped3A_38, %mul3A_2] : memref<11x2048xf32, #tpu.memory_space<hbm>> -> memref<1x64xf32, #tpu.memory_space<hbm>>
      %dma_wait3A_736 = tpu.memref_squeeze %dma_wait3A_735 : memref<1x64xf32, #tpu.memory_space<hbm>> -> memref<64xf32, #tpu.memory_space<hbm>>
      %dma_wait3A_737 = tpu.memref_slice %arg8[%run_scoped3A_38, %mul3A_2] : memref<11x2048xf32, #tpu.memory_space<hbm>> -> memref<1x64xf32, #tpu.memory_space<hbm>>
      %dma_wait3A_738 = tpu.memref_squeeze %dma_wait3A_737 : memref<1x64xf32, #tpu.memory_space<hbm>> -> memref<64xf32, #tpu.memory_space<hbm>>
      tpu.wait_dma2 semaphore(%run_scoped3A_730 : memref<!tpu.dma_semaphore, #tpu.memory_space<semaphore_mem>>) src(%arg13 : memref<64xf32, #tpu.memory_space<vmem>>) dst(%dma_wait3A_738 : memref<64xf32, #tpu.memory_space<hbm>>)
      tpu.yield
    }) : () -> ()
    %get3A_39 = arith.constant 0 : index
    %get3A_40 = tpu.vector_load %arg9[%get3A_39] {strides = array<i32>} : memref<64xi32, #tpu.memory_space<vmem>>, vector<16xi32>,
    %get3A_41 = vector.shape_cast %get3A_40 : vector<16xi32> to vector<16xi32>
    %get3A_42 = arith.constant 0 : index
    %get3A_43 = tpu.vector_load %arg10[%get3A_42] {strides = array<i32>} : memref<64xi32, #tpu.memory_space<vmem>>, vector<16xi32>,
    %get3A_44 = vector.shape_cast %get3A_43 : vector<16xi32> to vector<16xi32>
    %shift_right_logical3A = arith.constant 14 : i32
    %shift_right_logical3A_45 = vector.broadcast %shift_right_logical3A : i32 to vector<16xi32>
    %shift_right_logical3A_46 = arith.shrui %get3A_41, %shift_right_logical3A_45 : vector<16xi32>
    %and3A = arith.constant 16383 : i32
    %and3A_47 = vector.broadcast %and3A : i32 to vector<16xi32>
    %and3A_48 = arith.andi %get3A_41, %and3A_47 : vector<16xi32>
    %mul3A_49 = arith.constant 1310720 : i32
    %mul3A_50 = vector.broadcast %mul3A_49 : i32 to vector<16xi32>
    %mul3A_51 = arith.muli %shift_right_logical3A_46, %mul3A_50 : vector<16xi32>
    %mul3A_52 = arith.constant 16384 : i32
    %mul3A_53 = vector.broadcast %mul3A_52 : i32 to vector<16xi32>
    %mul3A_54 = arith.muli %get3A_44, %mul3A_53 : vector<16xi32>
    %add3A_55 = arith.addi %mul3A_51, %mul3A_54 : vector<16xi32>
    %add3A_56 = arith.addi %add3A_55, %and3A_48 : vector<16xi32>
    %swap3A_57 = arith.constant 0 : index
    %swap3A_58 = tpu.vector_load %arg11[%swap3A_57] {strides = array<i32>} : memref<64xi32, #tpu.memory_space<vmem>>, vector<16xi32>,
    %swap3A_59 = vector.shape_cast %swap3A_58 : vector<16xi32> to vector<16xi32>
    %swap3A_60 = vector.shape_cast %add3A_56 : vector<16xi32> to vector<16xi32>
    tpu.vector_store %arg11[%swap3A_57], %swap3A_60 {strides = array<i32>} : memref<64xi32, #tpu.memory_space<vmem>>, vector<16xi32>,
    %get3A_61 = arith.constant 16 : index
    %get3A_62 = tpu.vector_load %arg9[%get3A_61] {strides = array<i32>} : memref<64xi32, #tpu.memory_space<vmem>>, vector<16xi32>,
    %get3A_63 = vector.shape_cast %get3A_62 : vector<16xi32> to vector<16xi32>
    %get3A_64 = arith.constant 16 : index
    %get3A_65 = tpu.vector_load %arg10[%get3A_64] {strides = array<i32>} : memref<64xi32, #tpu.memory_space<vmem>>, vector<16xi32>,
    %get3A_66 = vector.shape_cast %get3A_65 : vector<16xi32> to vector<16xi32>
    %shift_right_logical3A_67 = arith.constant 14 : i32
    %shift_right_logical3A_68 = vector.broadcast %shift_right_logical3A_67 : i32 to vector<16xi32>
    %shift_right_logical3A_69 = arith.shrui %get3A_63, %shift_right_logical3A_68 : vector<16xi32>
    %and3A_70 = arith.constant 16383 : i32
    %and3A_71 = vector.broadcast %and3A_70 : i32 to vector<16xi32>
    %and3A_72 = arith.andi %get3A_63, %and3A_71 : vector<16xi32>
    %mul3A_73 = arith.constant 1310720 : i32
    %mul3A_74 = vector.broadcast %mul3A_73 : i32 to vector<16xi32>
    %mul3A_75 = arith.muli %shift_right_logical3A_69, %mul3A_74 : vector<16xi32>
    %mul3A_76 = arith.constant 16384 : i32
    %mul3A_77 = vector.broadcast %mul3A_76 : i32 to vector<16xi32>
    %mul3A_78 = arith.muli %get3A_66, %mul3A_77 : vector<16xi32>
    %add3A_79 = arith.addi %mul3A_75, %mul3A_78 : vector<16xi32>
    %add3A_80 = arith.addi %add3A_79, %and3A_72 : vector<16xi32>
    %swap3A_81 = arith.constant 16 : index
    %swap3A_82 = tpu.vector_load %arg11[%swap3A_81] {strides = array<i32>} : memref<64xi32, #tpu.memory_space<vmem>>, vector<16xi32>,
    %swap3A_83 = vector.shape_cast %swap3A_82 : vector<16xi32> to vector<16xi32>
    %swap3A_84 = vector.shape_cast %add3A_80 : vector<16xi32> to vector<16xi32>
    tpu.vector_store %arg11[%swap3A_81], %swap3A_84 {strides = array<i32>} : memref<64xi32, #tpu.memory_space<vmem>>, vector<16xi32>,
    %get3A_85 = arith.constant 32 : index
    %get3A_86 = tpu.vector_load %arg9[%get3A_85] {strides = array<i32>} : memref<64xi32, #tpu.memory_space<vmem>>, vector<16xi32>,
    %get3A_87 = vector.shape_cast %get3A_86 : vector<16xi32> to vector<16xi32>
    %get3A_88 = arith.constant 32 : index
    %get3A_89 = tpu.vector_load %arg10[%get3A_88] {strides = array<i32>} : memref<64xi32, #tpu.memory_space<vmem>>, vector<16xi32>,
    %get3A_90 = vector.shape_cast %get3A_89 : vector<16xi32> to vector<16xi32>
    %shift_right_logical3A_91 = arith.constant 14 : i32
    %shift_right_logical3A_92 = vector.broadcast %shift_right_logical3A_91 : i32 to vector<16xi32>
    %shift_right_logical3A_93 = arith.shrui %get3A_87, %shift_right_logical3A_92 : vector<16xi32>
    %and3A_94 = arith.constant 16383 : i32
    %and3A_95 = vector.broadcast %and3A_94 : i32 to vector<16xi32>
    %and3A_96 = arith.andi %get3A_87, %and3A_95 : vector<16xi32>
    %mul3A_97 = arith.constant 1310720 : i32
    %mul3A_98 = vector.broadcast %mul3A_97 : i32 to vector<16xi32>
    %mul3A_99 = arith.muli %shift_right_logical3A_93, %mul3A_98 : vector<16xi32>
    %mul3A_100 = arith.constant 16384 : i32
    %mul3A_101 = vector.broadcast %mul3A_100 : i32 to vector<16xi32>
    %mul3A_102 = arith.muli %get3A_90, %mul3A_101 : vector<16xi32>
    %add3A_103 = arith.addi %mul3A_99, %mul3A_102 : vector<16xi32>
    %add3A_104 = arith.addi %add3A_103, %and3A_96 : vector<16xi32>
    %swap3A_105 = arith.constant 32 : index
    %swap3A_106 = tpu.vector_load %arg11[%swap3A_105] {strides = array<i32>} : memref<64xi32, #tpu.memory_space<vmem>>, vector<16xi32>,
    %swap3A_107 = vector.shape_cast %swap3A_106 : vector<16xi32> to vector<16xi32>
    %swap3A_108 = vector.shape_cast %add3A_104 : vector<16xi32> to vector<16xi32>
    tpu.vector_store %arg11[%swap3A_105], %swap3A_108 {strides = array<i32>} : memref<64xi32, #tpu.memory_space<vmem>>, vector<16xi32>,
    %get3A_109 = arith.constant 48 : index
    %get3A_110 = tpu.vector_load %arg9[%get3A_109] {strides = array<i32>} : memref<64xi32, #tpu.memory_space<vmem>>, vector<16xi32>,
    %get3A_111 = vector.shape_cast %get3A_110 : vector<16xi32> to vector<16xi32>
    %get3A_112 = arith.constant 48 : index
    %get3A_113 = tpu.vector_load %arg10[%get3A_112] {strides = array<i32>} : memref<64xi32, #tpu.memory_space<vmem>>, vector<16xi32>,
    %get3A_114 = vector.shape_cast %get3A_113 : vector<16xi32> to vector<16xi32>
    %shift_right_logical3A_115 = arith.constant 14 : i32
    %shift_right_logical3A_116 = vector.broadcast %shift_right_logical3A_115 : i32 to vector<16xi32>
    %shift_right_logical3A_117 = arith.shrui %get3A_111, %shift_right_logical3A_116 : vector<16xi32>
    %and3A_118 = arith.constant 16383 : i32
    %and3A_119 = vector.broadcast %and3A_118 : i32 to vector<16xi32>
    %and3A_120 = arith.andi %get3A_111, %and3A_119 : vector<16xi32>
    %mul3A_121 = arith.constant 1310720 : i32
    %mul3A_122 = vector.broadcast %mul3A_121 : i32 to vector<16xi32>
    %mul3A_123 = arith.muli %shift_right_logical3A_117, %mul3A_122 : vector<16xi32>
    %mul3A_124 = arith.constant 16384 : i32
    %mul3A_125 = vector.broadcast %mul3A_124 : i32 to vector<16xi32>
    %mul3A_126 = arith.muli %get3A_114, %mul3A_125 : vector<16xi32>
    %add3A_127 = arith.addi %mul3A_123, %mul3A_126 : vector<16xi32>
    %add3A_128 = arith.addi %add3A_127, %and3A_120 : vector<16xi32>
    %swap3A_129 = arith.constant 48 : index
    %swap3A_130 = tpu.vector_load %arg11[%swap3A_129] {strides = array<i32>} : memref<64xi32, #tpu.memory_space<vmem>>, vector<16xi32>,
    %swap3A_131 = vector.shape_cast %swap3A_130 : vector<16xi32> to vector<16xi32>
    %swap3A_132 = vector.shape_cast %add3A_128 : vector<16xi32> to vector<16xi32>
    tpu.vector_store %arg11[%swap3A_129], %swap3A_132 {strides = array<i32>} : memref<64xi32, #tpu.memory_space<vmem>>, vector<16xi32>,
    %dma_start3A_133 = arith.constant 0 : i32
    %dma_start3A_134 = tpu.memref_slice %arg4[%dma_start3A_133] : memref<20971520xf32, #tpu.memory_space<hbm>> -> memref<20971520xf32, #tpu.memory_space<hbm>>
    tpu.enqueue_indirect_dma source(%dma_start3A_134 : memref<20971520xf32, #tpu.memory_space<hbm>>) target(%arg13 : memref<64xf32, #tpu.memory_space<vmem>>) offsets(%arg11 : memref<64xi32, #tpu.memory_space<vmem>>) semaphore(%arg15 : memref<!tpu.dma_semaphore, #tpu.memory_space<semaphore_mem>>)
    %dma_wait3A_135 = arith.constant 0 : i32
    %dma_wait3A_136 = tpu.memref_slice %arg4[%dma_wait3A_135] : memref<20971520xf32, #tpu.memory_space<hbm>> -> memref<20971520xf32, #tpu.memory_space<hbm>>
    tpu.wait_indirect_dma semaphore(%arg15 : memref<!tpu.dma_semaphore, #tpu.memory_space<semaphore_mem>>) src(%dma_wait3A_136 : memref<20971520xf32, #tpu.memory_space<hbm>>) dst(%arg13 : memref<64xf32, #tpu.memory_space<vmem>>)
    %run_scoped3A_137 = arith.constant 0 : i32
    "tpu.region"() ({
      %run_scoped3A_730 = tpu.sem_alloc : memref<!tpu.dma_semaphore, #tpu.memory_space<semaphore_mem>>
      %dma_start3A_731 = tpu.memref_slice %arg8[%run_scoped3A_137, %mul3A_2] : memref<11x2048xf32, #tpu.memory_space<hbm>> -> memref<1x64xf32, #tpu.memory_space<hbm>>
      %dma_start3A_732 = tpu.memref_squeeze %dma_start3A_731 : memref<1x64xf32, #tpu.memory_space<hbm>> -> memref<64xf32, #tpu.memory_space<hbm>>
      %dma_start3A_733 = tpu.memref_slice %arg8[%run_scoped3A_137, %mul3A_2] : memref<11x2048xf32, #tpu.memory_space<hbm>> -> memref<1x64xf32, #tpu.memory_space<hbm>>
      %dma_start3A_734 = tpu.memref_squeeze %dma_start3A_733 : memref<1x64xf32, #tpu.memory_space<hbm>> -> memref<64xf32, #tpu.memory_space<hbm>>
      tpu.enqueue_dma source(%arg13 : memref<64xf32, #tpu.memory_space<vmem>>) target(%dma_start3A_734 : memref<64xf32, #tpu.memory_space<hbm>>) target_semaphore(%run_scoped3A_730 : memref<!tpu.dma_semaphore, #tpu.memory_space<semaphore_mem>>)
      %dma_wait3A_735 = tpu.memref_slice %arg8[%run_scoped3A_137, %mul3A_2] : memref<11x2048xf32, #tpu.memory_space<hbm>> -> memref<1x64xf32, #tpu.memory_space<hbm>>
      %dma_wait3A_736 = tpu.memref_squeeze %dma_wait3A_735 : memref<1x64xf32, #tpu.memory_space<hbm>> -> memref<64xf32, #tpu.memory_space<hbm>>
      %dma_wait3A_737 = tpu.memref_slice %arg8[%run_scoped3A_137, %mul3A_2] : memref<11x2048xf32, #tpu.memory_space<hbm>> -> memref<1x64xf32, #tpu.memory_space<hbm>>
      %dma_wait3A_738 = tpu.memref_squeeze %dma_wait3A_737 : memref<1x64xf32, #tpu.memory_space<hbm>> -> memref<64xf32, #tpu.memory_space<hbm>>
      tpu.wait_dma2 semaphore(%run_scoped3A_730 : memref<!tpu.dma_semaphore, #tpu.memory_space<semaphore_mem>>) src(%arg13 : memref<64xf32, #tpu.memory_space<vmem>>) dst(%dma_wait3A_738 : memref<64xf32, #tpu.memory_space<hbm>>)
      tpu.yield
    }) : () -> ()
    %get3A_138 = arith.constant 0 : index
    %get3A_139 = tpu.vector_load %arg9[%get3A_138] {strides = array<i32>} : memref<64xi32, #tpu.memory_space<vmem>>, vector<16xi32>,
    %get3A_140 = vector.shape_cast %get3A_139 : vector<16xi32> to vector<16xi32>
    %shift_right_logical3A_141 = arith.constant 14 : i32
    %shift_right_logical3A_142 = vector.broadcast %shift_right_logical3A_141 : i32 to vector<16xi32>
    %shift_right_logical3A_143 = arith.shrui %get3A_140, %shift_right_logical3A_142 : vector<16xi32>
    %and3A_144 = arith.constant 16383 : i32
    %and3A_145 = vector.broadcast %and3A_144 : i32 to vector<16xi32>
    %and3A_146 = arith.andi %get3A_140, %and3A_145 : vector<16xi32>
    %mul3A_147 = arith.constant 4 : i32
    %mul3A_148 = vector.broadcast %mul3A_147 : i32 to vector<16xi32>
    %mul3A_149 = arith.muli %shift_right_logical3A_143, %mul3A_148 : vector<16xi32>
    %add3A_150 = arith.constant 0 : i32
    %add3A_151 = vector.broadcast %add3A_150 : i32 to vector<16xi32>
    %add3A_152 = arith.addi %mul3A_149, %add3A_151 : vector<16xi32>
    %mul3A_153 = arith.constant 16384 : i32
    %mul3A_154 = vector.broadcast %mul3A_153 : i32 to vector<16xi32>
    %mul3A_155 = arith.muli %add3A_152, %mul3A_154 : vector<16xi32>
    %add3A_156 = arith.addi %mul3A_155, %and3A_146 : vector<16xi32>
    %swap3A_157 = arith.constant 0 : index
    %swap3A_158 = tpu.vector_load %arg12[%swap3A_157] {strides = array<i32>} : memref<256xi32, #tpu.memory_space<vmem>>, vector<16xi32>,
    %swap3A_159 = vector.shape_cast %swap3A_158 : vector<16xi32> to vector<16xi32>
    %swap3A_160 = vector.shape_cast %add3A_156 : vector<16xi32> to vector<16xi32>
    tpu.vector_store %arg12[%swap3A_157], %swap3A_160 {strides = array<i32>} : memref<256xi32, #tpu.memory_space<vmem>>, vector<16xi32>,
    %get3A_161 = arith.constant 16 : index
    %get3A_162 = tpu.vector_load %arg9[%get3A_161] {strides = array<i32>} : memref<64xi32, #tpu.memory_space<vmem>>, vector<16xi32>,
    %get3A_163 = vector.shape_cast %get3A_162 : vector<16xi32> to vector<16xi32>
    %shift_right_logical3A_164 = arith.constant 14 : i32
    %shift_right_logical3A_165 = vector.broadcast %shift_right_logical3A_164 : i32 to vector<16xi32>
    %shift_right_logical3A_166 = arith.shrui %get3A_163, %shift_right_logical3A_165 : vector<16xi32>
    %and3A_167 = arith.constant 16383 : i32
    %and3A_168 = vector.broadcast %and3A_167 : i32 to vector<16xi32>
    %and3A_169 = arith.andi %get3A_163, %and3A_168 : vector<16xi32>
    %mul3A_170 = arith.constant 4 : i32
    %mul3A_171 = vector.broadcast %mul3A_170 : i32 to vector<16xi32>
    %mul3A_172 = arith.muli %shift_right_logical3A_166, %mul3A_171 : vector<16xi32>
    %add3A_173 = arith.constant 0 : i32
    %add3A_174 = vector.broadcast %add3A_173 : i32 to vector<16xi32>
    %add3A_175 = arith.addi %mul3A_172, %add3A_174 : vector<16xi32>
    %mul3A_176 = arith.constant 16384 : i32
    %mul3A_177 = vector.broadcast %mul3A_176 : i32 to vector<16xi32>
    %mul3A_178 = arith.muli %add3A_175, %mul3A_177 : vector<16xi32>
    %add3A_179 = arith.addi %mul3A_178, %and3A_169 : vector<16xi32>
    %swap3A_180 = arith.constant 16 : index
    %swap3A_181 = tpu.vector_load %arg12[%swap3A_180] {strides = array<i32>} : memref<256xi32, #tpu.memory_space<vmem>>, vector<16xi32>,
    %swap3A_182 = vector.shape_cast %swap3A_181 : vector<16xi32> to vector<16xi32>
    %swap3A_183 = vector.shape_cast %add3A_179 : vector<16xi32> to vector<16xi32>
    tpu.vector_store %arg12[%swap3A_180], %swap3A_183 {strides = array<i32>} : memref<256xi32, #tpu.memory_space<vmem>>, vector<16xi32>,
    %get3A_184 = arith.constant 32 : index
    %get3A_185 = tpu.vector_load %arg9[%get3A_184] {strides = array<i32>} : memref<64xi32, #tpu.memory_space<vmem>>, vector<16xi32>,
    %get3A_186 = vector.shape_cast %get3A_185 : vector<16xi32> to vector<16xi32>
    %shift_right_logical3A_187 = arith.constant 14 : i32
    %shift_right_logical3A_188 = vector.broadcast %shift_right_logical3A_187 : i32 to vector<16xi32>
    %shift_right_logical3A_189 = arith.shrui %get3A_186, %shift_right_logical3A_188 : vector<16xi32>
    %and3A_190 = arith.constant 16383 : i32
    %and3A_191 = vector.broadcast %and3A_190 : i32 to vector<16xi32>
    %and3A_192 = arith.andi %get3A_186, %and3A_191 : vector<16xi32>
    %mul3A_193 = arith.constant 4 : i32
    %mul3A_194 = vector.broadcast %mul3A_193 : i32 to vector<16xi32>
    %mul3A_195 = arith.muli %shift_right_logical3A_189, %mul3A_194 : vector<16xi32>
    %add3A_196 = arith.constant 0 : i32
    %add3A_197 = vector.broadcast %add3A_196 : i32 to vector<16xi32>
    %add3A_198 = arith.addi %mul3A_195, %add3A_197 : vector<16xi32>
    %mul3A_199 = arith.constant 16384 : i32
    %mul3A_200 = vector.broadcast %mul3A_199 : i32 to vector<16xi32>
    %mul3A_201 = arith.muli %add3A_198, %mul3A_200 : vector<16xi32>
    %add3A_202 = arith.addi %mul3A_201, %and3A_192 : vector<16xi32>
    %swap3A_203 = arith.constant 32 : index
    %swap3A_204 = tpu.vector_load %arg12[%swap3A_203] {strides = array<i32>} : memref<256xi32, #tpu.memory_space<vmem>>, vector<16xi32>,
    %swap3A_205 = vector.shape_cast %swap3A_204 : vector<16xi32> to vector<16xi32>
    %swap3A_206 = vector.shape_cast %add3A_202 : vector<16xi32> to vector<16xi32>
    tpu.vector_store %arg12[%swap3A_203], %swap3A_206 {strides = array<i32>} : memref<256xi32, #tpu.memory_space<vmem>>, vector<16xi32>,
    %get3A_207 = arith.constant 48 : index
    %get3A_208 = tpu.vector_load %arg9[%get3A_207] {strides = array<i32>} : memref<64xi32, #tpu.memory_space<vmem>>, vector<16xi32>,
    %get3A_209 = vector.shape_cast %get3A_208 : vector<16xi32> to vector<16xi32>
    %shift_right_logical3A_210 = arith.constant 14 : i32
    %shift_right_logical3A_211 = vector.broadcast %shift_right_logical3A_210 : i32 to vector<16xi32>
    %shift_right_logical3A_212 = arith.shrui %get3A_209, %shift_right_logical3A_211 : vector<16xi32>
    %and3A_213 = arith.constant 16383 : i32
    %and3A_214 = vector.broadcast %and3A_213 : i32 to vector<16xi32>
    %and3A_215 = arith.andi %get3A_209, %and3A_214 : vector<16xi32>
    %mul3A_216 = arith.constant 4 : i32
    %mul3A_217 = vector.broadcast %mul3A_216 : i32 to vector<16xi32>
    %mul3A_218 = arith.muli %shift_right_logical3A_212, %mul3A_217 : vector<16xi32>
    %add3A_219 = arith.constant 0 : i32
    %add3A_220 = vector.broadcast %add3A_219 : i32 to vector<16xi32>
    %add3A_221 = arith.addi %mul3A_218, %add3A_220 : vector<16xi32>
    %mul3A_222 = arith.constant 16384 : i32
    %mul3A_223 = vector.broadcast %mul3A_222 : i32 to vector<16xi32>
    %mul3A_224 = arith.muli %add3A_221, %mul3A_223 : vector<16xi32>
    %add3A_225 = arith.addi %mul3A_224, %and3A_215 : vector<16xi32>
    %swap3A_226 = arith.constant 48 : index
    %swap3A_227 = tpu.vector_load %arg12[%swap3A_226] {strides = array<i32>} : memref<256xi32, #tpu.memory_space<vmem>>, vector<16xi32>,
    %swap3A_228 = vector.shape_cast %swap3A_227 : vector<16xi32> to vector<16xi32>
    %swap3A_229 = vector.shape_cast %add3A_225 : vector<16xi32> to vector<16xi32>
    tpu.vector_store %arg12[%swap3A_226], %swap3A_229 {strides = array<i32>} : memref<256xi32, #tpu.memory_space<vmem>>, vector<16xi32>,
    %get3A_230 = arith.constant 0 : index
    %get3A_231 = tpu.vector_load %arg9[%get3A_230] {strides = array<i32>} : memref<64xi32, #tpu.memory_space<vmem>>, vector<16xi32>,
    %get3A_232 = vector.shape_cast %get3A_231 : vector<16xi32> to vector<16xi32>
    %shift_right_logical3A_233 = arith.constant 14 : i32
    %shift_right_logical3A_234 = vector.broadcast %shift_right_logical3A_233 : i32 to vector<16xi32>
    %shift_right_logical3A_235 = arith.shrui %get3A_232, %shift_right_logical3A_234 : vector<16xi32>
    %and3A_236 = arith.constant 16383 : i32
    %and3A_237 = vector.broadcast %and3A_236 : i32 to vector<16xi32>
    %and3A_238 = arith.andi %get3A_232, %and3A_237 : vector<16xi32>
    %mul3A_239 = arith.constant 4 : i32
    %mul3A_240 = vector.broadcast %mul3A_239 : i32 to vector<16xi32>
    %mul3A_241 = arith.muli %shift_right_logical3A_235, %mul3A_240 : vector<16xi32>
    %add3A_242 = arith.constant 1 : i32
    %add3A_243 = vector.broadcast %add3A_242 : i32 to vector<16xi32>
    %add3A_244 = arith.addi %mul3A_241, %add3A_243 : vector<16xi32>
    %mul3A_245 = arith.constant 16384 : i32
    %mul3A_246 = vector.broadcast %mul3A_245 : i32 to vector<16xi32>
    %mul3A_247 = arith.muli %add3A_244, %mul3A_246 : vector<16xi32>
    %add3A_248 = arith.addi %mul3A_247, %and3A_238 : vector<16xi32>
    %swap3A_249 = arith.constant 64 : index
    %swap3A_250 = tpu.vector_load %arg12[%swap3A_249] {strides = array<i32>} : memref<256xi32, #tpu.memory_space<vmem>>, vector<16xi32>,
    %swap3A_251 = vector.shape_cast %swap3A_250 : vector<16xi32> to vector<16xi32>
    %swap3A_252 = vector.shape_cast %add3A_248 : vector<16xi32> to vector<16xi32>
    tpu.vector_store %arg12[%swap3A_249], %swap3A_252 {strides = array<i32>} : memref<256xi32, #tpu.memory_space<vmem>>, vector<16xi32>,
    %get3A_253 = arith.constant 16 : index
    %get3A_254 = tpu.vector_load %arg9[%get3A_253] {strides = array<i32>} : memref<64xi32, #tpu.memory_space<vmem>>, vector<16xi32>,
    %get3A_255 = vector.shape_cast %get3A_254 : vector<16xi32> to vector<16xi32>
    %shift_right_logical3A_256 = arith.constant 14 : i32
    %shift_right_logical3A_257 = vector.broadcast %shift_right_logical3A_256 : i32 to vector<16xi32>
    %shift_right_logical3A_258 = arith.shrui %get3A_255, %shift_right_logical3A_257 : vector<16xi32>
    %and3A_259 = arith.constant 16383 : i32
    %and3A_260 = vector.broadcast %and3A_259 : i32 to vector<16xi32>
    %and3A_261 = arith.andi %get3A_255, %and3A_260 : vector<16xi32>
    %mul3A_262 = arith.constant 4 : i32
    %mul3A_263 = vector.broadcast %mul3A_262 : i32 to vector<16xi32>
    %mul3A_264 = arith.muli %shift_right_logical3A_258, %mul3A_263 : vector<16xi32>
    %add3A_265 = arith.constant 1 : i32
    %add3A_266 = vector.broadcast %add3A_265 : i32 to vector<16xi32>
    %add3A_267 = arith.addi %mul3A_264, %add3A_266 : vector<16xi32>
    %mul3A_268 = arith.constant 16384 : i32
    %mul3A_269 = vector.broadcast %mul3A_268 : i32 to vector<16xi32>
    %mul3A_270 = arith.muli %add3A_267, %mul3A_269 : vector<16xi32>
    %add3A_271 = arith.addi %mul3A_270, %and3A_261 : vector<16xi32>
    %swap3A_272 = arith.constant 80 : index
    %swap3A_273 = tpu.vector_load %arg12[%swap3A_272] {strides = array<i32>} : memref<256xi32, #tpu.memory_space<vmem>>, vector<16xi32>,
    %swap3A_274 = vector.shape_cast %swap3A_273 : vector<16xi32> to vector<16xi32>
    %swap3A_275 = vector.shape_cast %add3A_271 : vector<16xi32> to vector<16xi32>
    tpu.vector_store %arg12[%swap3A_272], %swap3A_275 {strides = array<i32>} : memref<256xi32, #tpu.memory_space<vmem>>, vector<16xi32>,
    %get3A_276 = arith.constant 32 : index
    %get3A_277 = tpu.vector_load %arg9[%get3A_276] {strides = array<i32>} : memref<64xi32, #tpu.memory_space<vmem>>, vector<16xi32>,
    %get3A_278 = vector.shape_cast %get3A_277 : vector<16xi32> to vector<16xi32>
    %shift_right_logical3A_279 = arith.constant 14 : i32
    %shift_right_logical3A_280 = vector.broadcast %shift_right_logical3A_279 : i32 to vector<16xi32>
    %shift_right_logical3A_281 = arith.shrui %get3A_278, %shift_right_logical3A_280 : vector<16xi32>
    %and3A_282 = arith.constant 16383 : i32
    %and3A_283 = vector.broadcast %and3A_282 : i32 to vector<16xi32>
    %and3A_284 = arith.andi %get3A_278, %and3A_283 : vector<16xi32>
    %mul3A_285 = arith.constant 4 : i32
    %mul3A_286 = vector.broadcast %mul3A_285 : i32 to vector<16xi32>
    %mul3A_287 = arith.muli %shift_right_logical3A_281, %mul3A_286 : vector<16xi32>
    %add3A_288 = arith.constant 1 : i32
    %add3A_289 = vector.broadcast %add3A_288 : i32 to vector<16xi32>
    %add3A_290 = arith.addi %mul3A_287, %add3A_289 : vector<16xi32>
    %mul3A_291 = arith.constant 16384 : i32
    %mul3A_292 = vector.broadcast %mul3A_291 : i32 to vector<16xi32>
    %mul3A_293 = arith.muli %add3A_290, %mul3A_292 : vector<16xi32>
    %add3A_294 = arith.addi %mul3A_293, %and3A_284 : vector<16xi32>
    %swap3A_295 = arith.constant 96 : index
    %swap3A_296 = tpu.vector_load %arg12[%swap3A_295] {strides = array<i32>} : memref<256xi32, #tpu.memory_space<vmem>>, vector<16xi32>,
    %swap3A_297 = vector.shape_cast %swap3A_296 : vector<16xi32> to vector<16xi32>
    %swap3A_298 = vector.shape_cast %add3A_294 : vector<16xi32> to vector<16xi32>
    tpu.vector_store %arg12[%swap3A_295], %swap3A_298 {strides = array<i32>} : memref<256xi32, #tpu.memory_space<vmem>>, vector<16xi32>,
    %get3A_299 = arith.constant 48 : index
    %get3A_300 = tpu.vector_load %arg9[%get3A_299] {strides = array<i32>} : memref<64xi32, #tpu.memory_space<vmem>>, vector<16xi32>,
    %get3A_301 = vector.shape_cast %get3A_300 : vector<16xi32> to vector<16xi32>
    %shift_right_logical3A_302 = arith.constant 14 : i32
    %shift_right_logical3A_303 = vector.broadcast %shift_right_logical3A_302 : i32 to vector<16xi32>
    %shift_right_logical3A_304 = arith.shrui %get3A_301, %shift_right_logical3A_303 : vector<16xi32>
    %and3A_305 = arith.constant 16383 : i32
    %and3A_306 = vector.broadcast %and3A_305 : i32 to vector<16xi32>
    %and3A_307 = arith.andi %get3A_301, %and3A_306 : vector<16xi32>
    %mul3A_308 = arith.constant 4 : i32
    %mul3A_309 = vector.broadcast %mul3A_308 : i32 to vector<16xi32>
    %mul3A_310 = arith.muli %shift_right_logical3A_304, %mul3A_309 : vector<16xi32>
    %add3A_311 = arith.constant 1 : i32
    %add3A_312 = vector.broadcast %add3A_311 : i32 to vector<16xi32>
    %add3A_313 = arith.addi %mul3A_310, %add3A_312 : vector<16xi32>
    %mul3A_314 = arith.constant 16384 : i32
    %mul3A_315 = vector.broadcast %mul3A_314 : i32 to vector<16xi32>
    %mul3A_316 = arith.muli %add3A_313, %mul3A_315 : vector<16xi32>
    %add3A_317 = arith.addi %mul3A_316, %and3A_307 : vector<16xi32>
    %swap3A_318 = arith.constant 112 : index
    %swap3A_319 = tpu.vector_load %arg12[%swap3A_318] {strides = array<i32>} : memref<256xi32, #tpu.memory_space<vmem>>, vector<16xi32>,
    %swap3A_320 = vector.shape_cast %swap3A_319 : vector<16xi32> to vector<16xi32>
    %swap3A_321 = vector.shape_cast %add3A_317 : vector<16xi32> to vector<16xi32>
    tpu.vector_store %arg12[%swap3A_318], %swap3A_321 {strides = array<i32>} : memref<256xi32, #tpu.memory_space<vmem>>, vector<16xi32>,
    %get3A_322 = arith.constant 0 : index
    %get3A_323 = tpu.vector_load %arg9[%get3A_322] {strides = array<i32>} : memref<64xi32, #tpu.memory_space<vmem>>, vector<16xi32>,
    %get3A_324 = vector.shape_cast %get3A_323 : vector<16xi32> to vector<16xi32>
    %shift_right_logical3A_325 = arith.constant 14 : i32
    %shift_right_logical3A_326 = vector.broadcast %shift_right_logical3A_325 : i32 to vector<16xi32>
    %shift_right_logical3A_327 = arith.shrui %get3A_324, %shift_right_logical3A_326 : vector<16xi32>
    %and3A_328 = arith.constant 16383 : i32
    %and3A_329 = vector.broadcast %and3A_328 : i32 to vector<16xi32>
    %and3A_330 = arith.andi %get3A_324, %and3A_329 : vector<16xi32>
    %mul3A_331 = arith.constant 4 : i32
    %mul3A_332 = vector.broadcast %mul3A_331 : i32 to vector<16xi32>
    %mul3A_333 = arith.muli %shift_right_logical3A_327, %mul3A_332 : vector<16xi32>
    %add3A_334 = arith.constant 2 : i32
    %add3A_335 = vector.broadcast %add3A_334 : i32 to vector<16xi32>
    %add3A_336 = arith.addi %mul3A_333, %add3A_335 : vector<16xi32>
    %mul3A_337 = arith.constant 16384 : i32
    %mul3A_338 = vector.broadcast %mul3A_337 : i32 to vector<16xi32>
    %mul3A_339 = arith.muli %add3A_336, %mul3A_338 : vector<16xi32>
    %add3A_340 = arith.addi %mul3A_339, %and3A_330 : vector<16xi32>
    %swap3A_341 = arith.constant 128 : index
    %swap3A_342 = tpu.vector_load %arg12[%swap3A_341] {strides = array<i32>} : memref<256xi32, #tpu.memory_space<vmem>>, vector<16xi32>,
    %swap3A_343 = vector.shape_cast %swap3A_342 : vector<16xi32> to vector<16xi32>
    %swap3A_344 = vector.shape_cast %add3A_340 : vector<16xi32> to vector<16xi32>
    tpu.vector_store %arg12[%swap3A_341], %swap3A_344 {strides = array<i32>} : memref<256xi32, #tpu.memory_space<vmem>>, vector<16xi32>,
    %get3A_345 = arith.constant 16 : index
    %get3A_346 = tpu.vector_load %arg9[%get3A_345] {strides = array<i32>} : memref<64xi32, #tpu.memory_space<vmem>>, vector<16xi32>,
    %get3A_347 = vector.shape_cast %get3A_346 : vector<16xi32> to vector<16xi32>
    %shift_right_logical3A_348 = arith.constant 14 : i32
    %shift_right_logical3A_349 = vector.broadcast %shift_right_logical3A_348 : i32 to vector<16xi32>
    %shift_right_logical3A_350 = arith.shrui %get3A_347, %shift_right_logical3A_349 : vector<16xi32>
    %and3A_351 = arith.constant 16383 : i32
    %and3A_352 = vector.broadcast %and3A_351 : i32 to vector<16xi32>
    %and3A_353 = arith.andi %get3A_347, %and3A_352 : vector<16xi32>
    %mul3A_354 = arith.constant 4 : i32
    %mul3A_355 = vector.broadcast %mul3A_354 : i32 to vector<16xi32>
    %mul3A_356 = arith.muli %shift_right_logical3A_350, %mul3A_355 : vector<16xi32>
    %add3A_357 = arith.constant 2 : i32
    %add3A_358 = vector.broadcast %add3A_357 : i32 to vector<16xi32>
    %add3A_359 = arith.addi %mul3A_356, %add3A_358 : vector<16xi32>
    %mul3A_360 = arith.constant 16384 : i32
    %mul3A_361 = vector.broadcast %mul3A_360 : i32 to vector<16xi32>
    %mul3A_362 = arith.muli %add3A_359, %mul3A_361 : vector<16xi32>
    %add3A_363 = arith.addi %mul3A_362, %and3A_353 : vector<16xi32>
    %swap3A_364 = arith.constant 144 : index
    %swap3A_365 = tpu.vector_load %arg12[%swap3A_364] {strides = array<i32>} : memref<256xi32, #tpu.memory_space<vmem>>, vector<16xi32>,
    %swap3A_366 = vector.shape_cast %swap3A_365 : vector<16xi32> to vector<16xi32>
    %swap3A_367 = vector.shape_cast %add3A_363 : vector<16xi32> to vector<16xi32>
    tpu.vector_store %arg12[%swap3A_364], %swap3A_367 {strides = array<i32>} : memref<256xi32, #tpu.memory_space<vmem>>, vector<16xi32>,
    %get3A_368 = arith.constant 32 : index
    %get3A_369 = tpu.vector_load %arg9[%get3A_368] {strides = array<i32>} : memref<64xi32, #tpu.memory_space<vmem>>, vector<16xi32>,
    %get3A_370 = vector.shape_cast %get3A_369 : vector<16xi32> to vector<16xi32>
    %shift_right_logical3A_371 = arith.constant 14 : i32
    %shift_right_logical3A_372 = vector.broadcast %shift_right_logical3A_371 : i32 to vector<16xi32>
    %shift_right_logical3A_373 = arith.shrui %get3A_370, %shift_right_logical3A_372 : vector<16xi32>
    %and3A_374 = arith.constant 16383 : i32
    %and3A_375 = vector.broadcast %and3A_374 : i32 to vector<16xi32>
    %and3A_376 = arith.andi %get3A_370, %and3A_375 : vector<16xi32>
    %mul3A_377 = arith.constant 4 : i32
    %mul3A_378 = vector.broadcast %mul3A_377 : i32 to vector<16xi32>
    %mul3A_379 = arith.muli %shift_right_logical3A_373, %mul3A_378 : vector<16xi32>
    %add3A_380 = arith.constant 2 : i32
    %add3A_381 = vector.broadcast %add3A_380 : i32 to vector<16xi32>
    %add3A_382 = arith.addi %mul3A_379, %add3A_381 : vector<16xi32>
    %mul3A_383 = arith.constant 16384 : i32
    %mul3A_384 = vector.broadcast %mul3A_383 : i32 to vector<16xi32>
    %mul3A_385 = arith.muli %add3A_382, %mul3A_384 : vector<16xi32>
    %add3A_386 = arith.addi %mul3A_385, %and3A_376 : vector<16xi32>
    %swap3A_387 = arith.constant 160 : index
    %swap3A_388 = tpu.vector_load %arg12[%swap3A_387] {strides = array<i32>} : memref<256xi32, #tpu.memory_space<vmem>>, vector<16xi32>,
    %swap3A_389 = vector.shape_cast %swap3A_388 : vector<16xi32> to vector<16xi32>
    %swap3A_390 = vector.shape_cast %add3A_386 : vector<16xi32> to vector<16xi32>
    tpu.vector_store %arg12[%swap3A_387], %swap3A_390 {strides = array<i32>} : memref<256xi32, #tpu.memory_space<vmem>>, vector<16xi32>,
    %get3A_391 = arith.constant 48 : index
    %get3A_392 = tpu.vector_load %arg9[%get3A_391] {strides = array<i32>} : memref<64xi32, #tpu.memory_space<vmem>>, vector<16xi32>,
    %get3A_393 = vector.shape_cast %get3A_392 : vector<16xi32> to vector<16xi32>
    %shift_right_logical3A_394 = arith.constant 14 : i32
    %shift_right_logical3A_395 = vector.broadcast %shift_right_logical3A_394 : i32 to vector<16xi32>
    %shift_right_logical3A_396 = arith.shrui %get3A_393, %shift_right_logical3A_395 : vector<16xi32>
    %and3A_397 = arith.constant 16383 : i32
    %and3A_398 = vector.broadcast %and3A_397 : i32 to vector<16xi32>
    %and3A_399 = arith.andi %get3A_393, %and3A_398 : vector<16xi32>
    %mul3A_400 = arith.constant 4 : i32
    %mul3A_401 = vector.broadcast %mul3A_400 : i32 to vector<16xi32>
    %mul3A_402 = arith.muli %shift_right_logical3A_396, %mul3A_401 : vector<16xi32>
    %add3A_403 = arith.constant 2 : i32
    %add3A_404 = vector.broadcast %add3A_403 : i32 to vector<16xi32>
    %add3A_405 = arith.addi %mul3A_402, %add3A_404 : vector<16xi32>
    %mul3A_406 = arith.constant 16384 : i32
    %mul3A_407 = vector.broadcast %mul3A_406 : i32 to vector<16xi32>
    %mul3A_408 = arith.muli %add3A_405, %mul3A_407 : vector<16xi32>
    %add3A_409 = arith.addi %mul3A_408, %and3A_399 : vector<16xi32>
    %swap3A_410 = arith.constant 176 : index
    %swap3A_411 = tpu.vector_load %arg12[%swap3A_410] {strides = array<i32>} : memref<256xi32, #tpu.memory_space<vmem>>, vector<16xi32>,
    %swap3A_412 = vector.shape_cast %swap3A_411 : vector<16xi32> to vector<16xi32>
    %swap3A_413 = vector.shape_cast %add3A_409 : vector<16xi32> to vector<16xi32>
    tpu.vector_store %arg12[%swap3A_410], %swap3A_413 {strides = array<i32>} : memref<256xi32, #tpu.memory_space<vmem>>, vector<16xi32>,
    %get3A_414 = arith.constant 0 : index
    %get3A_415 = tpu.vector_load %arg9[%get3A_414] {strides = array<i32>} : memref<64xi32, #tpu.memory_space<vmem>>, vector<16xi32>,
    %get3A_416 = vector.shape_cast %get3A_415 : vector<16xi32> to vector<16xi32>
    %shift_right_logical3A_417 = arith.constant 14 : i32
    %shift_right_logical3A_418 = vector.broadcast %shift_right_logical3A_417 : i32 to vector<16xi32>
    %shift_right_logical3A_419 = arith.shrui %get3A_416, %shift_right_logical3A_418 : vector<16xi32>
    %and3A_420 = arith.constant 16383 : i32
    %and3A_421 = vector.broadcast %and3A_420 : i32 to vector<16xi32>
    %and3A_422 = arith.andi %get3A_416, %and3A_421 : vector<16xi32>
    %mul3A_423 = arith.constant 4 : i32
    %mul3A_424 = vector.broadcast %mul3A_423 : i32 to vector<16xi32>
    %mul3A_425 = arith.muli %shift_right_logical3A_419, %mul3A_424 : vector<16xi32>
    %add3A_426 = arith.constant 3 : i32
    %add3A_427 = vector.broadcast %add3A_426 : i32 to vector<16xi32>
    %add3A_428 = arith.addi %mul3A_425, %add3A_427 : vector<16xi32>
    %mul3A_429 = arith.constant 16384 : i32
    %mul3A_430 = vector.broadcast %mul3A_429 : i32 to vector<16xi32>
    %mul3A_431 = arith.muli %add3A_428, %mul3A_430 : vector<16xi32>
    %add3A_432 = arith.addi %mul3A_431, %and3A_422 : vector<16xi32>
    %swap3A_433 = arith.constant 192 : index
    %swap3A_434 = tpu.vector_load %arg12[%swap3A_433] {strides = array<i32>} : memref<256xi32, #tpu.memory_space<vmem>>, vector<16xi32>,
    %swap3A_435 = vector.shape_cast %swap3A_434 : vector<16xi32> to vector<16xi32>
    %swap3A_436 = vector.shape_cast %add3A_432 : vector<16xi32> to vector<16xi32>
    tpu.vector_store %arg12[%swap3A_433], %swap3A_436 {strides = array<i32>} : memref<256xi32, #tpu.memory_space<vmem>>, vector<16xi32>,
    %get3A_437 = arith.constant 16 : index
    %get3A_438 = tpu.vector_load %arg9[%get3A_437] {strides = array<i32>} : memref<64xi32, #tpu.memory_space<vmem>>, vector<16xi32>,
    %get3A_439 = vector.shape_cast %get3A_438 : vector<16xi32> to vector<16xi32>
    %shift_right_logical3A_440 = arith.constant 14 : i32
    %shift_right_logical3A_441 = vector.broadcast %shift_right_logical3A_440 : i32 to vector<16xi32>
    %shift_right_logical3A_442 = arith.shrui %get3A_439, %shift_right_logical3A_441 : vector<16xi32>
    %and3A_443 = arith.constant 16383 : i32
    %and3A_444 = vector.broadcast %and3A_443 : i32 to vector<16xi32>
    %and3A_445 = arith.andi %get3A_439, %and3A_444 : vector<16xi32>
    %mul3A_446 = arith.constant 4 : i32
    %mul3A_447 = vector.broadcast %mul3A_446 : i32 to vector<16xi32>
    %mul3A_448 = arith.muli %shift_right_logical3A_442, %mul3A_447 : vector<16xi32>
    %add3A_449 = arith.constant 3 : i32
    %add3A_450 = vector.broadcast %add3A_449 : i32 to vector<16xi32>
    %add3A_451 = arith.addi %mul3A_448, %add3A_450 : vector<16xi32>
    %mul3A_452 = arith.constant 16384 : i32
    %mul3A_453 = vector.broadcast %mul3A_452 : i32 to vector<16xi32>
    %mul3A_454 = arith.muli %add3A_451, %mul3A_453 : vector<16xi32>
    %add3A_455 = arith.addi %mul3A_454, %and3A_445 : vector<16xi32>
    %swap3A_456 = arith.constant 208 : index
    %swap3A_457 = tpu.vector_load %arg12[%swap3A_456] {strides = array<i32>} : memref<256xi32, #tpu.memory_space<vmem>>, vector<16xi32>,
    %swap3A_458 = vector.shape_cast %swap3A_457 : vector<16xi32> to vector<16xi32>
    %swap3A_459 = vector.shape_cast %add3A_455 : vector<16xi32> to vector<16xi32>
    tpu.vector_store %arg12[%swap3A_456], %swap3A_459 {strides = array<i32>} : memref<256xi32, #tpu.memory_space<vmem>>, vector<16xi32>,
    %get3A_460 = arith.constant 32 : index
    %get3A_461 = tpu.vector_load %arg9[%get3A_460] {strides = array<i32>} : memref<64xi32, #tpu.memory_space<vmem>>, vector<16xi32>,
    %get3A_462 = vector.shape_cast %get3A_461 : vector<16xi32> to vector<16xi32>
    %shift_right_logical3A_463 = arith.constant 14 : i32
    %shift_right_logical3A_464 = vector.broadcast %shift_right_logical3A_463 : i32 to vector<16xi32>
    %shift_right_logical3A_465 = arith.shrui %get3A_462, %shift_right_logical3A_464 : vector<16xi32>
    %and3A_466 = arith.constant 16383 : i32
    %and3A_467 = vector.broadcast %and3A_466 : i32 to vector<16xi32>
    %and3A_468 = arith.andi %get3A_462, %and3A_467 : vector<16xi32>
    %mul3A_469 = arith.constant 4 : i32
    %mul3A_470 = vector.broadcast %mul3A_469 : i32 to vector<16xi32>
    %mul3A_471 = arith.muli %shift_right_logical3A_465, %mul3A_470 : vector<16xi32>
    %add3A_472 = arith.constant 3 : i32
    %add3A_473 = vector.broadcast %add3A_472 : i32 to vector<16xi32>
    %add3A_474 = arith.addi %mul3A_471, %add3A_473 : vector<16xi32>
    %mul3A_475 = arith.constant 16384 : i32
    %mul3A_476 = vector.broadcast %mul3A_475 : i32 to vector<16xi32>
    %mul3A_477 = arith.muli %add3A_474, %mul3A_476 : vector<16xi32>
    %add3A_478 = arith.addi %mul3A_477, %and3A_468 : vector<16xi32>
    %swap3A_479 = arith.constant 224 : index
    %swap3A_480 = tpu.vector_load %arg12[%swap3A_479] {strides = array<i32>} : memref<256xi32, #tpu.memory_space<vmem>>, vector<16xi32>,
    %swap3A_481 = vector.shape_cast %swap3A_480 : vector<16xi32> to vector<16xi32>
    %swap3A_482 = vector.shape_cast %add3A_478 : vector<16xi32> to vector<16xi32>
    tpu.vector_store %arg12[%swap3A_479], %swap3A_482 {strides = array<i32>} : memref<256xi32, #tpu.memory_space<vmem>>, vector<16xi32>,
    %get3A_483 = arith.constant 48 : index
    %get3A_484 = tpu.vector_load %arg9[%get3A_483] {strides = array<i32>} : memref<64xi32, #tpu.memory_space<vmem>>, vector<16xi32>,
    %get3A_485 = vector.shape_cast %get3A_484 : vector<16xi32> to vector<16xi32>
    %shift_right_logical3A_486 = arith.constant 14 : i32
    %shift_right_logical3A_487 = vector.broadcast %shift_right_logical3A_486 : i32 to vector<16xi32>
    %shift_right_logical3A_488 = arith.shrui %get3A_485, %shift_right_logical3A_487 : vector<16xi32>
    %and3A_489 = arith.constant 16383 : i32
    %and3A_490 = vector.broadcast %and3A_489 : i32 to vector<16xi32>
    %and3A_491 = arith.andi %get3A_485, %and3A_490 : vector<16xi32>
    %mul3A_492 = arith.constant 4 : i32
    %mul3A_493 = vector.broadcast %mul3A_492 : i32 to vector<16xi32>
    %mul3A_494 = arith.muli %shift_right_logical3A_488, %mul3A_493 : vector<16xi32>
    %add3A_495 = arith.constant 3 : i32
    %add3A_496 = vector.broadcast %add3A_495 : i32 to vector<16xi32>
    %add3A_497 = arith.addi %mul3A_494, %add3A_496 : vector<16xi32>
    %mul3A_498 = arith.constant 16384 : i32
    %mul3A_499 = vector.broadcast %mul3A_498 : i32 to vector<16xi32>
    %mul3A_500 = arith.muli %add3A_497, %mul3A_499 : vector<16xi32>
    %add3A_501 = arith.addi %mul3A_500, %and3A_491 : vector<16xi32>
    %swap3A_502 = arith.constant 240 : index
    %swap3A_503 = tpu.vector_load %arg12[%swap3A_502] {strides = array<i32>} : memref<256xi32, #tpu.memory_space<vmem>>, vector<16xi32>,
    %swap3A_504 = vector.shape_cast %swap3A_503 : vector<16xi32> to vector<16xi32>
    %swap3A_505 = vector.shape_cast %add3A_501 : vector<16xi32> to vector<16xi32>
    tpu.vector_store %arg12[%swap3A_502], %swap3A_505 {strides = array<i32>} : memref<256xi32, #tpu.memory_space<vmem>>, vector<16xi32>,
    %dma_start3A_506 = arith.constant 0 : i32
    %dma_start3A_507 = tpu.memref_slice %arg5[%dma_start3A_506] : memref<1048576xf32, #tpu.memory_space<hbm>> -> memref<1048576xf32, #tpu.memory_space<hbm>>
    tpu.enqueue_indirect_dma source(%dma_start3A_507 : memref<1048576xf32, #tpu.memory_space<hbm>>) target(%arg14 : memref<256xf32, #tpu.memory_space<vmem>>) offsets(%arg12 : memref<256xi32, #tpu.memory_space<vmem>>) semaphore(%arg15 : memref<!tpu.dma_semaphore, #tpu.memory_space<semaphore_mem>>)
    %dma_wait3A_508 = arith.constant 0 : i32
    %dma_wait3A_509 = tpu.memref_slice %arg5[%dma_wait3A_508] : memref<1048576xf32, #tpu.memory_space<hbm>> -> memref<1048576xf32, #tpu.memory_space<hbm>>
    tpu.wait_indirect_dma semaphore(%arg15 : memref<!tpu.dma_semaphore, #tpu.memory_space<semaphore_mem>>) src(%dma_wait3A_509 : memref<1048576xf32, #tpu.memory_space<hbm>>) dst(%arg14 : memref<256xf32, #tpu.memory_space<vmem>>)
    %run_scoped3A_510 = arith.constant 2 : i32
    "tpu.region"() ({
      %run_scoped3A_730 = tpu.sem_alloc : memref<!tpu.dma_semaphore, #tpu.memory_space<semaphore_mem>>
      %dma_start3A_731 = arith.constant 0 : i32
      %dma_start3A_732 = tpu.memref_slice %arg14[%dma_start3A_731] : memref<256xf32, #tpu.memory_space<vmem>> -> memref<64xf32, #tpu.memory_space<vmem>>
      %dma_start3A_733 = tpu.memref_slice %arg8[%run_scoped3A_510, %mul3A_2] : memref<11x2048xf32, #tpu.memory_space<hbm>> -> memref<1x64xf32, #tpu.memory_space<hbm>>
      %dma_start3A_734 = tpu.memref_squeeze %dma_start3A_733 : memref<1x64xf32, #tpu.memory_space<hbm>> -> memref<64xf32, #tpu.memory_space<hbm>>
      %dma_start3A_735 = tpu.memref_slice %arg8[%run_scoped3A_510, %mul3A_2] : memref<11x2048xf32, #tpu.memory_space<hbm>> -> memref<1x64xf32, #tpu.memory_space<hbm>>
      %dma_start3A_736 = tpu.memref_squeeze %dma_start3A_735 : memref<1x64xf32, #tpu.memory_space<hbm>> -> memref<64xf32, #tpu.memory_space<hbm>>
      %dma_start3A_737 = arith.constant 0 : i32
      %dma_start3A_738 = tpu.memref_slice %arg14[%dma_start3A_737] : memref<256xf32, #tpu.memory_space<vmem>> -> memref<64xf32, #tpu.memory_space<vmem>>
      tpu.enqueue_dma source(%dma_start3A_738 : memref<64xf32, #tpu.memory_space<vmem>>) target(%dma_start3A_736 : memref<64xf32, #tpu.memory_space<hbm>>) target_semaphore(%run_scoped3A_730 : memref<!tpu.dma_semaphore, #tpu.memory_space<semaphore_mem>>)
      %dma_wait3A_739 = arith.constant 0 : i32
      %dma_wait3A_740 = tpu.memref_slice %arg14[%dma_wait3A_739] : memref<256xf32, #tpu.memory_space<vmem>> -> memref<64xf32, #tpu.memory_space<vmem>>
      %dma_wait3A_741 = tpu.memref_slice %arg8[%run_scoped3A_510, %mul3A_2] : memref<11x2048xf32, #tpu.memory_space<hbm>> -> memref<1x64xf32, #tpu.memory_space<hbm>>
      %dma_wait3A_742 = tpu.memref_squeeze %dma_wait3A_741 : memref<1x64xf32, #tpu.memory_space<hbm>> -> memref<64xf32, #tpu.memory_space<hbm>>
      %dma_wait3A_743 = tpu.memref_slice %arg8[%run_scoped3A_510, %mul3A_2] : memref<11x2048xf32, #tpu.memory_space<hbm>> -> memref<1x64xf32, #tpu.memory_space<hbm>>
      %dma_wait3A_744 = tpu.memref_squeeze %dma_wait3A_743 : memref<1x64xf32, #tpu.memory_space<hbm>> -> memref<64xf32, #tpu.memory_space<hbm>>
      %dma_wait3A_745 = arith.constant 0 : i32
      %dma_wait3A_746 = tpu.memref_slice %arg14[%dma_wait3A_745] : memref<256xf32, #tpu.memory_space<vmem>> -> memref<64xf32, #tpu.memory_space<vmem>>
      tpu.wait_dma2 semaphore(%run_scoped3A_730 : memref<!tpu.dma_semaphore, #tpu.memory_space<semaphore_mem>>) src(%dma_wait3A_746 : memref<64xf32, #tpu.memory_space<vmem>>) dst(%dma_wait3A_744 : memref<64xf32, #tpu.memory_space<hbm>>)
      tpu.yield
    }) : () -> ()
    %run_scoped3A_511 = arith.constant 3 : i32
    "tpu.region"() ({
      %run_scoped3A_730 = tpu.sem_alloc : memref<!tpu.dma_semaphore, #tpu.memory_space<semaphore_mem>>
      %dma_start3A_731 = arith.constant 64 : i32
      %dma_start3A_732 = tpu.memref_slice %arg14[%dma_start3A_731] : memref<256xf32, #tpu.memory_space<vmem>> -> memref<64xf32, #tpu.memory_space<vmem>>
      %dma_start3A_733 = tpu.memref_slice %arg8[%run_scoped3A_511, %mul3A_2] : memref<11x2048xf32, #tpu.memory_space<hbm>> -> memref<1x64xf32, #tpu.memory_space<hbm>>
      %dma_start3A_734 = tpu.memref_squeeze %dma_start3A_733 : memref<1x64xf32, #tpu.memory_space<hbm>> -> memref<64xf32, #tpu.memory_space<hbm>>
      %dma_start3A_735 = tpu.memref_slice %arg8[%run_scoped3A_511, %mul3A_2] : memref<11x2048xf32, #tpu.memory_space<hbm>> -> memref<1x64xf32, #tpu.memory_space<hbm>>
      %dma_start3A_736 = tpu.memref_squeeze %dma_start3A_735 : memref<1x64xf32, #tpu.memory_space<hbm>> -> memref<64xf32, #tpu.memory_space<hbm>>
      %dma_start3A_737 = arith.constant 64 : i32
      %dma_start3A_738 = tpu.memref_slice %arg14[%dma_start3A_737] : memref<256xf32, #tpu.memory_space<vmem>> -> memref<64xf32, #tpu.memory_space<vmem>>
      tpu.enqueue_dma source(%dma_start3A_738 : memref<64xf32, #tpu.memory_space<vmem>>) target(%dma_start3A_736 : memref<64xf32, #tpu.memory_space<hbm>>) target_semaphore(%run_scoped3A_730 : memref<!tpu.dma_semaphore, #tpu.memory_space<semaphore_mem>>)
      %dma_wait3A_739 = arith.constant 64 : i32
      %dma_wait3A_740 = tpu.memref_slice %arg14[%dma_wait3A_739] : memref<256xf32, #tpu.memory_space<vmem>> -> memref<64xf32, #tpu.memory_space<vmem>>
      %dma_wait3A_741 = tpu.memref_slice %arg8[%run_scoped3A_511, %mul3A_2] : memref<11x2048xf32, #tpu.memory_space<hbm>> -> memref<1x64xf32, #tpu.memory_space<hbm>>
      %dma_wait3A_742 = tpu.memref_squeeze %dma_wait3A_741 : memref<1x64xf32, #tpu.memory_space<hbm>> -> memref<64xf32, #tpu.memory_space<hbm>>
      %dma_wait3A_743 = tpu.memref_slice %arg8[%run_scoped3A_511, %mul3A_2] : memref<11x2048xf32, #tpu.memory_space<hbm>> -> memref<1x64xf32, #tpu.memory_space<hbm>>
      %dma_wait3A_744 = tpu.memref_squeeze %dma_wait3A_743 : memref<1x64xf32, #tpu.memory_space<hbm>> -> memref<64xf32, #tpu.memory_space<hbm>>
      %dma_wait3A_745 = arith.constant 64 : i32
      %dma_wait3A_746 = tpu.memref_slice %arg14[%dma_wait3A_745] : memref<256xf32, #tpu.memory_space<vmem>> -> memref<64xf32, #tpu.memory_space<vmem>>
      tpu.wait_dma2 semaphore(%run_scoped3A_730 : memref<!tpu.dma_semaphore, #tpu.memory_space<semaphore_mem>>) src(%dma_wait3A_746 : memref<64xf32, #tpu.memory_space<vmem>>) dst(%dma_wait3A_744 : memref<64xf32, #tpu.memory_space<hbm>>)
      tpu.yield
    }) : () -> ()
    %run_scoped3A_512 = arith.constant 4 : i32
    "tpu.region"() ({
      %run_scoped3A_730 = tpu.sem_alloc : memref<!tpu.dma_semaphore, #tpu.memory_space<semaphore_mem>>
      %dma_start3A_731 = arith.constant 128 : i32
      %dma_start3A_732 = tpu.memref_slice %arg14[%dma_start3A_731] : memref<256xf32, #tpu.memory_space<vmem>> -> memref<64xf32, #tpu.memory_space<vmem>>
      %dma_start3A_733 = tpu.memref_slice %arg8[%run_scoped3A_512, %mul3A_2] : memref<11x2048xf32, #tpu.memory_space<hbm>> -> memref<1x64xf32, #tpu.memory_space<hbm>>
      %dma_start3A_734 = tpu.memref_squeeze %dma_start3A_733 : memref<1x64xf32, #tpu.memory_space<hbm>> -> memref<64xf32, #tpu.memory_space<hbm>>
      %dma_start3A_735 = tpu.memref_slice %arg8[%run_scoped3A_512, %mul3A_2] : memref<11x2048xf32, #tpu.memory_space<hbm>> -> memref<1x64xf32, #tpu.memory_space<hbm>>
      %dma_start3A_736 = tpu.memref_squeeze %dma_start3A_735 : memref<1x64xf32, #tpu.memory_space<hbm>> -> memref<64xf32, #tpu.memory_space<hbm>>
      %dma_start3A_737 = arith.constant 128 : i32
      %dma_start3A_738 = tpu.memref_slice %arg14[%dma_start3A_737] : memref<256xf32, #tpu.memory_space<vmem>> -> memref<64xf32, #tpu.memory_space<vmem>>
      tpu.enqueue_dma source(%dma_start3A_738 : memref<64xf32, #tpu.memory_space<vmem>>) target(%dma_start3A_736 : memref<64xf32, #tpu.memory_space<hbm>>) target_semaphore(%run_scoped3A_730 : memref<!tpu.dma_semaphore, #tpu.memory_space<semaphore_mem>>)
      %dma_wait3A_739 = arith.constant 128 : i32
      %dma_wait3A_740 = tpu.memref_slice %arg14[%dma_wait3A_739] : memref<256xf32, #tpu.memory_space<vmem>> -> memref<64xf32, #tpu.memory_space<vmem>>
      %dma_wait3A_741 = tpu.memref_slice %arg8[%run_scoped3A_512, %mul3A_2] : memref<11x2048xf32, #tpu.memory_space<hbm>> -> memref<1x64xf32, #tpu.memory_space<hbm>>
      %dma_wait3A_742 = tpu.memref_squeeze %dma_wait3A_741 : memref<1x64xf32, #tpu.memory_space<hbm>> -> memref<64xf32, #tpu.memory_space<hbm>>
      %dma_wait3A_743 = tpu.memref_slice %arg8[%run_scoped3A_512, %mul3A_2] : memref<11x2048xf32, #tpu.memory_space<hbm>> -> memref<1x64xf32, #tpu.memory_space<hbm>>
      %dma_wait3A_744 = tpu.memref_squeeze %dma_wait3A_743 : memref<1x64xf32, #tpu.memory_space<hbm>> -> memref<64xf32, #tpu.memory_space<hbm>>
      %dma_wait3A_745 = arith.constant 128 : i32
      %dma_wait3A_746 = tpu.memref_slice %arg14[%dma_wait3A_745] : memref<256xf32, #tpu.memory_space<vmem>> -> memref<64xf32, #tpu.memory_space<vmem>>
      tpu.wait_dma2 semaphore(%run_scoped3A_730 : memref<!tpu.dma_semaphore, #tpu.memory_space<semaphore_mem>>) src(%dma_wait3A_746 : memref<64xf32, #tpu.memory_space<vmem>>) dst(%dma_wait3A_744 : memref<64xf32, #tpu.memory_space<hbm>>)
      tpu.yield
    }) : () -> ()
    %run_scoped3A_513 = arith.constant 5 : i32
    "tpu.region"() ({
      %run_scoped3A_730 = tpu.sem_alloc : memref<!tpu.dma_semaphore, #tpu.memory_space<semaphore_mem>>
      %dma_start3A_731 = arith.constant 192 : i32
      %dma_start3A_732 = tpu.memref_slice %arg14[%dma_start3A_731] : memref<256xf32, #tpu.memory_space<vmem>> -> memref<64xf32, #tpu.memory_space<vmem>>
      %dma_start3A_733 = tpu.memref_slice %arg8[%run_scoped3A_513, %mul3A_2] : memref<11x2048xf32, #tpu.memory_space<hbm>> -> memref<1x64xf32, #tpu.memory_space<hbm>>
      %dma_start3A_734 = tpu.memref_squeeze %dma_start3A_733 : memref<1x64xf32, #tpu.memory_space<hbm>> -> memref<64xf32, #tpu.memory_space<hbm>>
      %dma_start3A_735 = tpu.memref_slice %arg8[%run_scoped3A_513, %mul3A_2] : memref<11x2048xf32, #tpu.memory_space<hbm>> -> memref<1x64xf32, #tpu.memory_space<hbm>>
      %dma_start3A_736 = tpu.memref_squeeze %dma_start3A_735 : memref<1x64xf32, #tpu.memory_space<hbm>> -> memref<64xf32, #tpu.memory_space<hbm>>
      %dma_start3A_737 = arith.constant 192 : i32
      %dma_start3A_738 = tpu.memref_slice %arg14[%dma_start3A_737] : memref<256xf32, #tpu.memory_space<vmem>> -> memref<64xf32, #tpu.memory_space<vmem>>
      tpu.enqueue_dma source(%dma_start3A_738 : memref<64xf32, #tpu.memory_space<vmem>>) target(%dma_start3A_736 : memref<64xf32, #tpu.memory_space<hbm>>) target_semaphore(%run_scoped3A_730 : memref<!tpu.dma_semaphore, #tpu.memory_space<semaphore_mem>>)
      %dma_wait3A_739 = arith.constant 192 : i32
      %dma_wait3A_740 = tpu.memref_slice %arg14[%dma_wait3A_739] : memref<256xf32, #tpu.memory_space<vmem>> -> memref<64xf32, #tpu.memory_space<vmem>>
      %dma_wait3A_741 = tpu.memref_slice %arg8[%run_scoped3A_513, %mul3A_2] : memref<11x2048xf32, #tpu.memory_space<hbm>> -> memref<1x64xf32, #tpu.memory_space<hbm>>
      %dma_wait3A_742 = tpu.memref_squeeze %dma_wait3A_741 : memref<1x64xf32, #tpu.memory_space<hbm>> -> memref<64xf32, #tpu.memory_space<hbm>>
      %dma_wait3A_743 = tpu.memref_slice %arg8[%run_scoped3A_513, %mul3A_2] : memref<11x2048xf32, #tpu.memory_space<hbm>> -> memref<1x64xf32, #tpu.memory_space<hbm>>
      %dma_wait3A_744 = tpu.memref_squeeze %dma_wait3A_743 : memref<1x64xf32, #tpu.memory_space<hbm>> -> memref<64xf32, #tpu.memory_space<hbm>>
      %dma_wait3A_745 = arith.constant 192 : i32
      %dma_wait3A_746 = tpu.memref_slice %arg14[%dma_wait3A_745] : memref<256xf32, #tpu.memory_space<vmem>> -> memref<64xf32, #tpu.memory_space<vmem>>
      tpu.wait_dma2 semaphore(%run_scoped3A_730 : memref<!tpu.dma_semaphore, #tpu.memory_space<semaphore_mem>>) src(%dma_wait3A_746 : memref<64xf32, #tpu.memory_space<vmem>>) dst(%dma_wait3A_744 : memref<64xf32, #tpu.memory_space<hbm>>)
      tpu.yield
    }) : () -> ()
    %get3A_514 = arith.constant 0 : index
    %get3A_515 = tpu.vector_load %arg9[%get3A_514] {strides = array<i32>} : memref<64xi32, #tpu.memory_space<vmem>>, vector<16xi32>,
    %get3A_516 = vector.shape_cast %get3A_515 : vector<16xi32> to vector<16xi32>
    %mul3A_517 = arith.constant 4 : i32
    %mul3A_518 = vector.broadcast %mul3A_517 : i32 to vector<16xi32>
    %mul3A_519 = arith.muli %get3A_516, %mul3A_518 : vector<16xi32>
    %add3A_520 = arith.constant 0 : i32
    %add3A_521 = vector.broadcast %add3A_520 : i32 to vector<16xi32>
    %add3A_522 = arith.addi %mul3A_519, %add3A_521 : vector<16xi32>
    %swap3A_523 = arith.constant 0 : index
    %swap3A_524 = tpu.vector_load %arg12[%swap3A_523] {strides = array<i32>} : memref<256xi32, #tpu.memory_space<vmem>>, vector<16xi32>,
    %swap3A_525 = vector.shape_cast %swap3A_524 : vector<16xi32> to vector<16xi32>
    %swap3A_526 = vector.shape_cast %add3A_522 : vector<16xi32> to vector<16xi32>
    tpu.vector_store %arg12[%swap3A_523], %swap3A_526 {strides = array<i32>} : memref<256xi32, #tpu.memory_space<vmem>>, vector<16xi32>,
    %get3A_527 = arith.constant 16 : index
    %get3A_528 = tpu.vector_load %arg9[%get3A_527] {strides = array<i32>} : memref<64xi32, #tpu.memory_space<vmem>>, vector<16xi32>,
    %get3A_529 = vector.shape_cast %get3A_528 : vector<16xi32> to vector<16xi32>
    %mul3A_530 = arith.constant 4 : i32
    %mul3A_531 = vector.broadcast %mul3A_530 : i32 to vector<16xi32>
    %mul3A_532 = arith.muli %get3A_529, %mul3A_531 : vector<16xi32>
    %add3A_533 = arith.constant 0 : i32
    %add3A_534 = vector.broadcast %add3A_533 : i32 to vector<16xi32>
    %add3A_535 = arith.addi %mul3A_532, %add3A_534 : vector<16xi32>
    %swap3A_536 = arith.constant 16 : index
    %swap3A_537 = tpu.vector_load %arg12[%swap3A_536] {strides = array<i32>} : memref<256xi32, #tpu.memory_space<vmem>>, vector<16xi32>,
    %swap3A_538 = vector.shape_cast %swap3A_537 : vector<16xi32> to vector<16xi32>
    %swap3A_539 = vector.shape_cast %add3A_535 : vector<16xi32> to vector<16xi32>
    tpu.vector_store %arg12[%swap3A_536], %swap3A_539 {strides = array<i32>} : memref<256xi32, #tpu.memory_space<vmem>>, vector<16xi32>,
    %get3A_540 = arith.constant 32 : index
    %get3A_541 = tpu.vector_load %arg9[%get3A_540] {strides = array<i32>} : memref<64xi32, #tpu.memory_space<vmem>>, vector<16xi32>,
    %get3A_542 = vector.shape_cast %get3A_541 : vector<16xi32> to vector<16xi32>
    %mul3A_543 = arith.constant 4 : i32
    %mul3A_544 = vector.broadcast %mul3A_543 : i32 to vector<16xi32>
    %mul3A_545 = arith.muli %get3A_542, %mul3A_544 : vector<16xi32>
    %add3A_546 = arith.constant 0 : i32
    %add3A_547 = vector.broadcast %add3A_546 : i32 to vector<16xi32>
    %add3A_548 = arith.addi %mul3A_545, %add3A_547 : vector<16xi32>
    %swap3A_549 = arith.constant 32 : index
    %swap3A_550 = tpu.vector_load %arg12[%swap3A_549] {strides = array<i32>} : memref<256xi32, #tpu.memory_space<vmem>>, vector<16xi32>,
    %swap3A_551 = vector.shape_cast %swap3A_550 : vector<16xi32> to vector<16xi32>
    %swap3A_552 = vector.shape_cast %add3A_548 : vector<16xi32> to vector<16xi32>
    tpu.vector_store %arg12[%swap3A_549], %swap3A_552 {strides = array<i32>} : memref<256xi32, #tpu.memory_space<vmem>>, vector<16xi32>,
    %get3A_553 = arith.constant 48 : index
    %get3A_554 = tpu.vector_load %arg9[%get3A_553] {strides = array<i32>} : memref<64xi32, #tpu.memory_space<vmem>>, vector<16xi32>,
    %get3A_555 = vector.shape_cast %get3A_554 : vector<16xi32> to vector<16xi32>
    %mul3A_556 = arith.constant 4 : i32
    %mul3A_557 = vector.broadcast %mul3A_556 : i32 to vector<16xi32>
    %mul3A_558 = arith.muli %get3A_555, %mul3A_557 : vector<16xi32>
    %add3A_559 = arith.constant 0 : i32
    %add3A_560 = vector.broadcast %add3A_559 : i32 to vector<16xi32>
    %add3A_561 = arith.addi %mul3A_558, %add3A_560 : vector<16xi32>
    %swap3A_562 = arith.constant 48 : index
    %swap3A_563 = tpu.vector_load %arg12[%swap3A_562] {strides = array<i32>} : memref<256xi32, #tpu.memory_space<vmem>>, vector<16xi32>,
    %swap3A_564 = vector.shape_cast %swap3A_563 : vector<16xi32> to vector<16xi32>
    %swap3A_565 = vector.shape_cast %add3A_561 : vector<16xi32> to vector<16xi32>
    tpu.vector_store %arg12[%swap3A_562], %swap3A_565 {strides = array<i32>} : memref<256xi32, #tpu.memory_space<vmem>>, vector<16xi32>,
    %get3A_566 = arith.constant 0 : index
    %get3A_567 = tpu.vector_load %arg9[%get3A_566] {strides = array<i32>} : memref<64xi32, #tpu.memory_space<vmem>>, vector<16xi32>,
    %get3A_568 = vector.shape_cast %get3A_567 : vector<16xi32> to vector<16xi32>
    %mul3A_569 = arith.constant 4 : i32
    %mul3A_570 = vector.broadcast %mul3A_569 : i32 to vector<16xi32>
    %mul3A_571 = arith.muli %get3A_568, %mul3A_570 : vector<16xi32>
    %add3A_572 = arith.constant 1 : i32
    %add3A_573 = vector.broadcast %add3A_572 : i32 to vector<16xi32>
    %add3A_574 = arith.addi %mul3A_571, %add3A_573 : vector<16xi32>
    %swap3A_575 = arith.constant 64 : index
    %swap3A_576 = tpu.vector_load %arg12[%swap3A_575] {strides = array<i32>} : memref<256xi32, #tpu.memory_space<vmem>>, vector<16xi32>,
    %swap3A_577 = vector.shape_cast %swap3A_576 : vector<16xi32> to vector<16xi32>
    %swap3A_578 = vector.shape_cast %add3A_574 : vector<16xi32> to vector<16xi32>
    tpu.vector_store %arg12[%swap3A_575], %swap3A_578 {strides = array<i32>} : memref<256xi32, #tpu.memory_space<vmem>>, vector<16xi32>,
    %get3A_579 = arith.constant 16 : index
    %get3A_580 = tpu.vector_load %arg9[%get3A_579] {strides = array<i32>} : memref<64xi32, #tpu.memory_space<vmem>>, vector<16xi32>,
    %get3A_581 = vector.shape_cast %get3A_580 : vector<16xi32> to vector<16xi32>
    %mul3A_582 = arith.constant 4 : i32
    %mul3A_583 = vector.broadcast %mul3A_582 : i32 to vector<16xi32>
    %mul3A_584 = arith.muli %get3A_581, %mul3A_583 : vector<16xi32>
    %add3A_585 = arith.constant 1 : i32
    %add3A_586 = vector.broadcast %add3A_585 : i32 to vector<16xi32>
    %add3A_587 = arith.addi %mul3A_584, %add3A_586 : vector<16xi32>
    %swap3A_588 = arith.constant 80 : index
    %swap3A_589 = tpu.vector_load %arg12[%swap3A_588] {strides = array<i32>} : memref<256xi32, #tpu.memory_space<vmem>>, vector<16xi32>,
    %swap3A_590 = vector.shape_cast %swap3A_589 : vector<16xi32> to vector<16xi32>
    %swap3A_591 = vector.shape_cast %add3A_587 : vector<16xi32> to vector<16xi32>
    tpu.vector_store %arg12[%swap3A_588], %swap3A_591 {strides = array<i32>} : memref<256xi32, #tpu.memory_space<vmem>>, vector<16xi32>,
    %get3A_592 = arith.constant 32 : index
    %get3A_593 = tpu.vector_load %arg9[%get3A_592] {strides = array<i32>} : memref<64xi32, #tpu.memory_space<vmem>>, vector<16xi32>,
    %get3A_594 = vector.shape_cast %get3A_593 : vector<16xi32> to vector<16xi32>
    %mul3A_595 = arith.constant 4 : i32
    %mul3A_596 = vector.broadcast %mul3A_595 : i32 to vector<16xi32>
    %mul3A_597 = arith.muli %get3A_594, %mul3A_596 : vector<16xi32>
    %add3A_598 = arith.constant 1 : i32
    %add3A_599 = vector.broadcast %add3A_598 : i32 to vector<16xi32>
    %add3A_600 = arith.addi %mul3A_597, %add3A_599 : vector<16xi32>
    %swap3A_601 = arith.constant 96 : index
    %swap3A_602 = tpu.vector_load %arg12[%swap3A_601] {strides = array<i32>} : memref<256xi32, #tpu.memory_space<vmem>>, vector<16xi32>,
    %swap3A_603 = vector.shape_cast %swap3A_602 : vector<16xi32> to vector<16xi32>
    %swap3A_604 = vector.shape_cast %add3A_600 : vector<16xi32> to vector<16xi32>
    tpu.vector_store %arg12[%swap3A_601], %swap3A_604 {strides = array<i32>} : memref<256xi32, #tpu.memory_space<vmem>>, vector<16xi32>,
    %get3A_605 = arith.constant 48 : index
    %get3A_606 = tpu.vector_load %arg9[%get3A_605] {strides = array<i32>} : memref<64xi32, #tpu.memory_space<vmem>>, vector<16xi32>,
    %get3A_607 = vector.shape_cast %get3A_606 : vector<16xi32> to vector<16xi32>
    %mul3A_608 = arith.constant 4 : i32
    %mul3A_609 = vector.broadcast %mul3A_608 : i32 to vector<16xi32>
    %mul3A_610 = arith.muli %get3A_607, %mul3A_609 : vector<16xi32>
    %add3A_611 = arith.constant 1 : i32
    %add3A_612 = vector.broadcast %add3A_611 : i32 to vector<16xi32>
    %add3A_613 = arith.addi %mul3A_610, %add3A_612 : vector<16xi32>
    %swap3A_614 = arith.constant 112 : index
    %swap3A_615 = tpu.vector_load %arg12[%swap3A_614] {strides = array<i32>} : memref<256xi32, #tpu.memory_space<vmem>>, vector<16xi32>,
    %swap3A_616 = vector.shape_cast %swap3A_615 : vector<16xi32> to vector<16xi32>
    %swap3A_617 = vector.shape_cast %add3A_613 : vector<16xi32> to vector<16xi32>
    tpu.vector_store %arg12[%swap3A_614], %swap3A_617 {strides = array<i32>} : memref<256xi32, #tpu.memory_space<vmem>>, vector<16xi32>,
    %get3A_618 = arith.constant 0 : index
    %get3A_619 = tpu.vector_load %arg9[%get3A_618] {strides = array<i32>} : memref<64xi32, #tpu.memory_space<vmem>>, vector<16xi32>,
    %get3A_620 = vector.shape_cast %get3A_619 : vector<16xi32> to vector<16xi32>
    %mul3A_621 = arith.constant 4 : i32
    %mul3A_622 = vector.broadcast %mul3A_621 : i32 to vector<16xi32>
    %mul3A_623 = arith.muli %get3A_620, %mul3A_622 : vector<16xi32>
    %add3A_624 = arith.constant 2 : i32
    %add3A_625 = vector.broadcast %add3A_624 : i32 to vector<16xi32>
    %add3A_626 = arith.addi %mul3A_623, %add3A_625 : vector<16xi32>
    %swap3A_627 = arith.constant 128 : index
    %swap3A_628 = tpu.vector_load %arg12[%swap3A_627] {strides = array<i32>} : memref<256xi32, #tpu.memory_space<vmem>>, vector<16xi32>,
    %swap3A_629 = vector.shape_cast %swap3A_628 : vector<16xi32> to vector<16xi32>
    %swap3A_630 = vector.shape_cast %add3A_626 : vector<16xi32> to vector<16xi32>
    tpu.vector_store %arg12[%swap3A_627], %swap3A_630 {strides = array<i32>} : memref<256xi32, #tpu.memory_space<vmem>>, vector<16xi32>,
    %get3A_631 = arith.constant 16 : index
    %get3A_632 = tpu.vector_load %arg9[%get3A_631] {strides = array<i32>} : memref<64xi32, #tpu.memory_space<vmem>>, vector<16xi32>,
    %get3A_633 = vector.shape_cast %get3A_632 : vector<16xi32> to vector<16xi32>
    %mul3A_634 = arith.constant 4 : i32
    %mul3A_635 = vector.broadcast %mul3A_634 : i32 to vector<16xi32>
    %mul3A_636 = arith.muli %get3A_633, %mul3A_635 : vector<16xi32>
    %add3A_637 = arith.constant 2 : i32
    %add3A_638 = vector.broadcast %add3A_637 : i32 to vector<16xi32>
    %add3A_639 = arith.addi %mul3A_636, %add3A_638 : vector<16xi32>
    %swap3A_640 = arith.constant 144 : index
    %swap3A_641 = tpu.vector_load %arg12[%swap3A_640] {strides = array<i32>} : memref<256xi32, #tpu.memory_space<vmem>>, vector<16xi32>,
    %swap3A_642 = vector.shape_cast %swap3A_641 : vector<16xi32> to vector<16xi32>
    %swap3A_643 = vector.shape_cast %add3A_639 : vector<16xi32> to vector<16xi32>
    tpu.vector_store %arg12[%swap3A_640], %swap3A_643 {strides = array<i32>} : memref<256xi32, #tpu.memory_space<vmem>>, vector<16xi32>,
    %get3A_644 = arith.constant 32 : index
    %get3A_645 = tpu.vector_load %arg9[%get3A_644] {strides = array<i32>} : memref<64xi32, #tpu.memory_space<vmem>>, vector<16xi32>,
    %get3A_646 = vector.shape_cast %get3A_645 : vector<16xi32> to vector<16xi32>
    %mul3A_647 = arith.constant 4 : i32
    %mul3A_648 = vector.broadcast %mul3A_647 : i32 to vector<16xi32>
    %mul3A_649 = arith.muli %get3A_646, %mul3A_648 : vector<16xi32>
    %add3A_650 = arith.constant 2 : i32
    %add3A_651 = vector.broadcast %add3A_650 : i32 to vector<16xi32>
    %add3A_652 = arith.addi %mul3A_649, %add3A_651 : vector<16xi32>
    %swap3A_653 = arith.constant 160 : index
    %swap3A_654 = tpu.vector_load %arg12[%swap3A_653] {strides = array<i32>} : memref<256xi32, #tpu.memory_space<vmem>>, vector<16xi32>,
    %swap3A_655 = vector.shape_cast %swap3A_654 : vector<16xi32> to vector<16xi32>
    %swap3A_656 = vector.shape_cast %add3A_652 : vector<16xi32> to vector<16xi32>
    tpu.vector_store %arg12[%swap3A_653], %swap3A_656 {strides = array<i32>} : memref<256xi32, #tpu.memory_space<vmem>>, vector<16xi32>,
    %get3A_657 = arith.constant 48 : index
    %get3A_658 = tpu.vector_load %arg9[%get3A_657] {strides = array<i32>} : memref<64xi32, #tpu.memory_space<vmem>>, vector<16xi32>,
    %get3A_659 = vector.shape_cast %get3A_658 : vector<16xi32> to vector<16xi32>
    %mul3A_660 = arith.constant 4 : i32
    %mul3A_661 = vector.broadcast %mul3A_660 : i32 to vector<16xi32>
    %mul3A_662 = arith.muli %get3A_659, %mul3A_661 : vector<16xi32>
    %add3A_663 = arith.constant 2 : i32
    %add3A_664 = vector.broadcast %add3A_663 : i32 to vector<16xi32>
    %add3A_665 = arith.addi %mul3A_662, %add3A_664 : vector<16xi32>
    %swap3A_666 = arith.constant 176 : index
    %swap3A_667 = tpu.vector_load %arg12[%swap3A_666] {strides = array<i32>} : memref<256xi32, #tpu.memory_space<vmem>>, vector<16xi32>,
    %swap3A_668 = vector.shape_cast %swap3A_667 : vector<16xi32> to vector<16xi32>
    %swap3A_669 = vector.shape_cast %add3A_665 : vector<16xi32> to vector<16xi32>
    tpu.vector_store %arg12[%swap3A_666], %swap3A_669 {strides = array<i32>} : memref<256xi32, #tpu.memory_space<vmem>>, vector<16xi32>,
    %get3A_670 = arith.constant 0 : index
    %get3A_671 = tpu.vector_load %arg9[%get3A_670] {strides = array<i32>} : memref<64xi32, #tpu.memory_space<vmem>>, vector<16xi32>,
    %get3A_672 = vector.shape_cast %get3A_671 : vector<16xi32> to vector<16xi32>
    %mul3A_673 = arith.constant 4 : i32
    %mul3A_674 = vector.broadcast %mul3A_673 : i32 to vector<16xi32>
    %mul3A_675 = arith.muli %get3A_672, %mul3A_674 : vector<16xi32>
    %add3A_676 = arith.constant 3 : i32
    %add3A_677 = vector.broadcast %add3A_676 : i32 to vector<16xi32>
    %add3A_678 = arith.addi %mul3A_675, %add3A_677 : vector<16xi32>
    %swap3A_679 = arith.constant 192 : index
    %swap3A_680 = tpu.vector_load %arg12[%swap3A_679] {strides = array<i32>} : memref<256xi32, #tpu.memory_space<vmem>>, vector<16xi32>,
    %swap3A_681 = vector.shape_cast %swap3A_680 : vector<16xi32> to vector<16xi32>
    %swap3A_682 = vector.shape_cast %add3A_678 : vector<16xi32> to vector<16xi32>
    tpu.vector_store %arg12[%swap3A_679], %swap3A_682 {strides = array<i32>} : memref<256xi32, #tpu.memory_space<vmem>>, vector<16xi32>,
    %get3A_683 = arith.constant 16 : index
    %get3A_684 = tpu.vector_load %arg9[%get3A_683] {strides = array<i32>} : memref<64xi32, #tpu.memory_space<vmem>>, vector<16xi32>,
    %get3A_685 = vector.shape_cast %get3A_684 : vector<16xi32> to vector<16xi32>
    %mul3A_686 = arith.constant 4 : i32
    %mul3A_687 = vector.broadcast %mul3A_686 : i32 to vector<16xi32>
    %mul3A_688 = arith.muli %get3A_685, %mul3A_687 : vector<16xi32>
    %add3A_689 = arith.constant 3 : i32
    %add3A_690 = vector.broadcast %add3A_689 : i32 to vector<16xi32>
    %add3A_691 = arith.addi %mul3A_688, %add3A_690 : vector<16xi32>
    %swap3A_692 = arith.constant 208 : index
    %swap3A_693 = tpu.vector_load %arg12[%swap3A_692] {strides = array<i32>} : memref<256xi32, #tpu.memory_space<vmem>>, vector<16xi32>,
    %swap3A_694 = vector.shape_cast %swap3A_693 : vector<16xi32> to vector<16xi32>
    %swap3A_695 = vector.shape_cast %add3A_691 : vector<16xi32> to vector<16xi32>
    tpu.vector_store %arg12[%swap3A_692], %swap3A_695 {strides = array<i32>} : memref<256xi32, #tpu.memory_space<vmem>>, vector<16xi32>,
    %get3A_696 = arith.constant 32 : index
    %get3A_697 = tpu.vector_load %arg9[%get3A_696] {strides = array<i32>} : memref<64xi32, #tpu.memory_space<vmem>>, vector<16xi32>,
    %get3A_698 = vector.shape_cast %get3A_697 : vector<16xi32> to vector<16xi32>
    %mul3A_699 = arith.constant 4 : i32
    %mul3A_700 = vector.broadcast %mul3A_699 : i32 to vector<16xi32>
    %mul3A_701 = arith.muli %get3A_698, %mul3A_700 : vector<16xi32>
    %add3A_702 = arith.constant 3 : i32
    %add3A_703 = vector.broadcast %add3A_702 : i32 to vector<16xi32>
    %add3A_704 = arith.addi %mul3A_701, %add3A_703 : vector<16xi32>
    %swap3A_705 = arith.constant 224 : index
    %swap3A_706 = tpu.vector_load %arg12[%swap3A_705] {strides = array<i32>} : memref<256xi32, #tpu.memory_space<vmem>>, vector<16xi32>,
    %swap3A_707 = vector.shape_cast %swap3A_706 : vector<16xi32> to vector<16xi32>
    %swap3A_708 = vector.shape_cast %add3A_704 : vector<16xi32> to vector<16xi32>
    tpu.vector_store %arg12[%swap3A_705], %swap3A_708 {strides = array<i32>} : memref<256xi32, #tpu.memory_space<vmem>>, vector<16xi32>,
    %get3A_709 = arith.constant 48 : index
    %get3A_710 = tpu.vector_load %arg9[%get3A_709] {strides = array<i32>} : memref<64xi32, #tpu.memory_space<vmem>>, vector<16xi32>,
    %get3A_711 = vector.shape_cast %get3A_710 : vector<16xi32> to vector<16xi32>
    %mul3A_712 = arith.constant 4 : i32
    %mul3A_713 = vector.broadcast %mul3A_712 : i32 to vector<16xi32>
    %mul3A_714 = arith.muli %get3A_711, %mul3A_713 : vector<16xi32>
    %add3A_715 = arith.constant 3 : i32
    %add3A_716 = vector.broadcast %add3A_715 : i32 to vector<16xi32>
    %add3A_717 = arith.addi %mul3A_714, %add3A_716 : vector<16xi32>
    %swap3A_718 = arith.constant 240 : index
    %swap3A_719 = tpu.vector_load %arg12[%swap3A_718] {strides = array<i32>} : memref<256xi32, #tpu.memory_space<vmem>>, vector<16xi32>,
    %swap3A_720 = vector.shape_cast %swap3A_719 : vector<16xi32> to vector<16xi32>
    %swap3A_721 = vector.shape_cast %add3A_717 : vector<16xi32> to vector<16xi32>
    tpu.vector_store %arg12[%swap3A_718], %swap3A_721 {strides = array<i32>} : memref<256xi32, #tpu.memory_space<vmem>>, vector<16xi32>,
    %dma_start3A_722 = arith.constant 0 : i32
    %dma_start3A_723 = tpu.memref_slice %arg7[%dma_start3A_722] : memref<1048576xf32, #tpu.memory_space<hbm>> -> memref<1048576xf32, #tpu.memory_space<hbm>>
    tpu.enqueue_indirect_dma source(%dma_start3A_723 : memref<1048576xf32, #tpu.memory_space<hbm>>) target(%arg14 : memref<256xf32, #tpu.memory_space<vmem>>) offsets(%arg12 : memref<256xi32, #tpu.memory_space<vmem>>) semaphore(%arg15 : memref<!tpu.dma_semaphore, #tpu.memory_space<semaphore_mem>>)
    %dma_wait3A_724 = arith.constant 0 : i32
    %dma_wait3A_725 = tpu.memref_slice %arg7[%dma_wait3A_724] : memref<1048576xf32, #tpu.memory_space<hbm>> -> memref<1048576xf32, #tpu.memory_space<hbm>>
    tpu.wait_indirect_dma semaphore(%arg15 : memref<!tpu.dma_semaphore, #tpu.memory_space<semaphore_mem>>) src(%dma_wait3A_725 : memref<1048576xf32, #tpu.memory_space<hbm>>) dst(%arg14 : memref<256xf32, #tpu.memory_space<vmem>>)
    %run_scoped3A_726 = arith.constant 6 : i32
    "tpu.region"() ({
      %run_scoped3A_730 = tpu.sem_alloc : memref<!tpu.dma_semaphore, #tpu.memory_space<semaphore_mem>>
      %dma_start3A_731 = arith.constant 0 : i32
      %dma_start3A_732 = tpu.memref_slice %arg14[%dma_start3A_731] : memref<256xf32, #tpu.memory_space<vmem>> -> memref<64xf32, #tpu.memory_space<vmem>>
      %dma_start3A_733 = tpu.memref_slice %arg8[%run_scoped3A_726, %mul3A_2] : memref<11x2048xf32, #tpu.memory_space<hbm>> -> memref<1x64xf32, #tpu.memory_space<hbm>>
      %dma_start3A_734 = tpu.memref_squeeze %dma_start3A_733 : memref<1x64xf32, #tpu.memory_space<hbm>> -> memref<64xf32, #tpu.memory_space<hbm>>
      %dma_start3A_735 = tpu.memref_slice %arg8[%run_scoped3A_726, %mul3A_2] : memref<11x2048xf32, #tpu.memory_space<hbm>> -> memref<1x64xf32, #tpu.memory_space<hbm>>
      %dma_start3A_736 = tpu.memref_squeeze %dma_start3A_735 : memref<1x64xf32, #tpu.memory_space<hbm>> -> memref<64xf32, #tpu.memory_space<hbm>>
      %dma_start3A_737 = arith.constant 0 : i32
      %dma_start3A_738 = tpu.memref_slice %arg14[%dma_start3A_737] : memref<256xf32, #tpu.memory_space<vmem>> -> memref<64xf32, #tpu.memory_space<vmem>>
      tpu.enqueue_dma source(%dma_start3A_738 : memref<64xf32, #tpu.memory_space<vmem>>) target(%dma_start3A_736 : memref<64xf32, #tpu.memory_space<hbm>>) target_semaphore(%run_scoped3A_730 : memref<!tpu.dma_semaphore, #tpu.memory_space<semaphore_mem>>)
      %dma_wait3A_739 = arith.constant 0 : i32
      %dma_wait3A_740 = tpu.memref_slice %arg14[%dma_wait3A_739] : memref<256xf32, #tpu.memory_space<vmem>> -> memref<64xf32, #tpu.memory_space<vmem>>
      %dma_wait3A_741 = tpu.memref_slice %arg8[%run_scoped3A_726, %mul3A_2] : memref<11x2048xf32, #tpu.memory_space<hbm>> -> memref<1x64xf32, #tpu.memory_space<hbm>>
      %dma_wait3A_742 = tpu.memref_squeeze %dma_wait3A_741 : memref<1x64xf32, #tpu.memory_space<hbm>> -> memref<64xf32, #tpu.memory_space<hbm>>
      %dma_wait3A_743 = tpu.memref_slice %arg8[%run_scoped3A_726, %mul3A_2] : memref<11x2048xf32, #tpu.memory_space<hbm>> -> memref<1x64xf32, #tpu.memory_space<hbm>>
      %dma_wait3A_744 = tpu.memref_squeeze %dma_wait3A_743 : memref<1x64xf32, #tpu.memory_space<hbm>> -> memref<64xf32, #tpu.memory_space<hbm>>
      %dma_wait3A_745 = arith.constant 0 : i32
      %dma_wait3A_746 = tpu.memref_slice %arg14[%dma_wait3A_745] : memref<256xf32, #tpu.memory_space<vmem>> -> memref<64xf32, #tpu.memory_space<vmem>>
      tpu.wait_dma2 semaphore(%run_scoped3A_730 : memref<!tpu.dma_semaphore, #tpu.memory_space<semaphore_mem>>) src(%dma_wait3A_746 : memref<64xf32, #tpu.memory_space<vmem>>) dst(%dma_wait3A_744 : memref<64xf32, #tpu.memory_space<hbm>>)
      tpu.yield
    }) : () -> ()
    %run_scoped3A_727 = arith.constant 7 : i32
    "tpu.region"() ({
      %run_scoped3A_730 = tpu.sem_alloc : memref<!tpu.dma_semaphore, #tpu.memory_space<semaphore_mem>>
      %dma_start3A_731 = arith.constant 64 : i32
      %dma_start3A_732 = tpu.memref_slice %arg14[%dma_start3A_731] : memref<256xf32, #tpu.memory_space<vmem>> -> memref<64xf32, #tpu.memory_space<vmem>>
      %dma_start3A_733 = tpu.memref_slice %arg8[%run_scoped3A_727, %mul3A_2] : memref<11x2048xf32, #tpu.memory_space<hbm>> -> memref<1x64xf32, #tpu.memory_space<hbm>>
      %dma_start3A_734 = tpu.memref_squeeze %dma_start3A_733 : memref<1x64xf32, #tpu.memory_space<hbm>> -> memref<64xf32, #tpu.memory_space<hbm>>
      %dma_start3A_735 = tpu.memref_slice %arg8[%run_scoped3A_727, %mul3A_2] : memref<11x2048xf32, #tpu.memory_space<hbm>> -> memref<1x64xf32, #tpu.memory_space<hbm>>
      %dma_start3A_736 = tpu.memref_squeeze %dma_start3A_735 : memref<1x64xf32, #tpu.memory_space<hbm>> -> memref<64xf32, #tpu.memory_space<hbm>>
      %dma_start3A_737 = arith.constant 64 : i32
      %dma_start3A_738 = tpu.memref_slice %arg14[%dma_start3A_737] : memref<256xf32, #tpu.memory_space<vmem>> -> memref<64xf32, #tpu.memory_space<vmem>>
      tpu.enqueue_dma source(%dma_start3A_738 : memref<64xf32, #tpu.memory_space<vmem>>) target(%dma_start3A_736 : memref<64xf32, #tpu.memory_space<hbm>>) target_semaphore(%run_scoped3A_730 : memref<!tpu.dma_semaphore, #tpu.memory_space<semaphore_mem>>)
      %dma_wait3A_739 = arith.constant 64 : i32
      %dma_wait3A_740 = tpu.memref_slice %arg14[%dma_wait3A_739] : memref<256xf32, #tpu.memory_space<vmem>> -> memref<64xf32, #tpu.memory_space<vmem>>
      %dma_wait3A_741 = tpu.memref_slice %arg8[%run_scoped3A_727, %mul3A_2] : memref<11x2048xf32, #tpu.memory_space<hbm>> -> memref<1x64xf32, #tpu.memory_space<hbm>>
      %dma_wait3A_742 = tpu.memref_squeeze %dma_wait3A_741 : memref<1x64xf32, #tpu.memory_space<hbm>> -> memref<64xf32, #tpu.memory_space<hbm>>
      %dma_wait3A_743 = tpu.memref_slice %arg8[%run_scoped3A_727, %mul3A_2] : memref<11x2048xf32, #tpu.memory_space<hbm>> -> memref<1x64xf32, #tpu.memory_space<hbm>>
      %dma_wait3A_744 = tpu.memref_squeeze %dma_wait3A_743 : memref<1x64xf32, #tpu.memory_space<hbm>> -> memref<64xf32, #tpu.memory_space<hbm>>
      %dma_wait3A_745 = arith.constant 64 : i32
      %dma_wait3A_746 = tpu.memref_slice %arg14[%dma_wait3A_745] : memref<256xf32, #tpu.memory_space<vmem>> -> memref<64xf32, #tpu.memory_space<vmem>>
      tpu.wait_dma2 semaphore(%run_scoped3A_730 : memref<!tpu.dma_semaphore, #tpu.memory_space<semaphore_mem>>) src(%dma_wait3A_746 : memref<64xf32, #tpu.memory_space<vmem>>) dst(%dma_wait3A_744 : memref<64xf32, #tpu.memory_space<hbm>>)
      tpu.yield
    }) : () -> ()
    %run_scoped3A_728 = arith.constant 8 : i32
    "tpu.region"() ({
      %run_scoped3A_730 = tpu.sem_alloc : memref<!tpu.dma_semaphore, #tpu.memory_space<semaphore_mem>>
      %dma_start3A_731 = arith.constant 128 : i32
      %dma_start3A_732 = tpu.memref_slice %arg14[%dma_start3A_731] : memref<256xf32, #tpu.memory_space<vmem>> -> memref<64xf32, #tpu.memory_space<vmem>>
      %dma_start3A_733 = tpu.memref_slice %arg8[%run_scoped3A_728, %mul3A_2] : memref<11x2048xf32, #tpu.memory_space<hbm>> -> memref<1x64xf32, #tpu.memory_space<hbm>>
      %dma_start3A_734 = tpu.memref_squeeze %dma_start3A_733 : memref<1x64xf32, #tpu.memory_space<hbm>> -> memref<64xf32, #tpu.memory_space<hbm>>
      %dma_start3A_735 = tpu.memref_slice %arg8[%run_scoped3A_728, %mul3A_2] : memref<11x2048xf32, #tpu.memory_space<hbm>> -> memref<1x64xf32, #tpu.memory_space<hbm>>
      %dma_start3A_736 = tpu.memref_squeeze %dma_start3A_735 : memref<1x64xf32, #tpu.memory_space<hbm>> -> memref<64xf32, #tpu.memory_space<hbm>>
      %dma_start3A_737 = arith.constant 128 : i32
      %dma_start3A_738 = tpu.memref_slice %arg14[%dma_start3A_737] : memref<256xf32, #tpu.memory_space<vmem>> -> memref<64xf32, #tpu.memory_space<vmem>>
      tpu.enqueue_dma source(%dma_start3A_738 : memref<64xf32, #tpu.memory_space<vmem>>) target(%dma_start3A_736 : memref<64xf32, #tpu.memory_space<hbm>>) target_semaphore(%run_scoped3A_730 : memref<!tpu.dma_semaphore, #tpu.memory_space<semaphore_mem>>)
      %dma_wait3A_739 = arith.constant 128 : i32
      %dma_wait3A_740 = tpu.memref_slice %arg14[%dma_wait3A_739] : memref<256xf32, #tpu.memory_space<vmem>> -> memref<64xf32, #tpu.memory_space<vmem>>
      %dma_wait3A_741 = tpu.memref_slice %arg8[%run_scoped3A_728, %mul3A_2] : memref<11x2048xf32, #tpu.memory_space<hbm>> -> memref<1x64xf32, #tpu.memory_space<hbm>>
      %dma_wait3A_742 = tpu.memref_squeeze %dma_wait3A_741 : memref<1x64xf32, #tpu.memory_space<hbm>> -> memref<64xf32, #tpu.memory_space<hbm>>
      %dma_wait3A_743 = tpu.memref_slice %arg8[%run_scoped3A_728, %mul3A_2] : memref<11x2048xf32, #tpu.memory_space<hbm>> -> memref<1x64xf32, #tpu.memory_space<hbm>>
      %dma_wait3A_744 = tpu.memref_squeeze %dma_wait3A_743 : memref<1x64xf32, #tpu.memory_space<hbm>> -> memref<64xf32, #tpu.memory_space<hbm>>
      %dma_wait3A_745 = arith.constant 128 : i32
      %dma_wait3A_746 = tpu.memref_slice %arg14[%dma_wait3A_745] : memref<256xf32, #tpu.memory_space<vmem>> -> memref<64xf32, #tpu.memory_space<vmem>>
      tpu.wait_dma2 semaphore(%run_scoped3A_730 : memref<!tpu.dma_semaphore, #tpu.memory_space<semaphore_mem>>) src(%dma_wait3A_746 : memref<64xf32, #tpu.memory_space<vmem>>) dst(%dma_wait3A_744 : memref<64xf32, #tpu.memory_space<hbm>>)
      tpu.yield
    }) : () -> ()
    %run_scoped3A_729 = arith.constant 9 : i32
    "tpu.region"() ({
      %run_scoped3A_730 = tpu.sem_alloc : memref<!tpu.dma_semaphore, #tpu.memory_space<semaphore_mem>>
      %dma_start3A_731 = arith.constant 192 : i32
      %dma_start3A_732 = tpu.memref_slice %arg14[%dma_start3A_731] : memref<256xf32, #tpu.memory_space<vmem>> -> memref<64xf32, #tpu.memory_space<vmem>>
      %dma_start3A_733 = tpu.memref_slice %arg8[%run_scoped3A_729, %mul3A_2] : memref<11x2048xf32, #tpu.memory_space<hbm>> -> memref<1x64xf32, #tpu.memory_space<hbm>>
      %dma_start3A_734 = tpu.memref_squeeze %dma_start3A_733 : memref<1x64xf32, #tpu.memory_space<hbm>> -> memref<64xf32, #tpu.memory_space<hbm>>
      %dma_start3A_735 = tpu.memref_slice %arg8[%run_scoped3A_729, %mul3A_2] : memref<11x2048xf32, #tpu.memory_space<hbm>> -> memref<1x64xf32, #tpu.memory_space<hbm>>
      %dma_start3A_736 = tpu.memref_squeeze %dma_start3A_735 : memref<1x64xf32, #tpu.memory_space<hbm>> -> memref<64xf32, #tpu.memory_space<hbm>>
      %dma_start3A_737 = arith.constant 192 : i32
      %dma_start3A_738 = tpu.memref_slice %arg14[%dma_start3A_737] : memref<256xf32, #tpu.memory_space<vmem>> -> memref<64xf32, #tpu.memory_space<vmem>>
      tpu.enqueue_dma source(%dma_start3A_738 : memref<64xf32, #tpu.memory_space<vmem>>) target(%dma_start3A_736 : memref<64xf32, #tpu.memory_space<hbm>>) target_semaphore(%run_scoped3A_730 : memref<!tpu.dma_semaphore, #tpu.memory_space<semaphore_mem>>)
      %dma_wait3A_739 = arith.constant 192 : i32
      %dma_wait3A_740 = tpu.memref_slice %arg14[%dma_wait3A_739] : memref<256xf32, #tpu.memory_space<vmem>> -> memref<64xf32, #tpu.memory_space<vmem>>
      %dma_wait3A_741 = tpu.memref_slice %arg8[%run_scoped3A_729, %mul3A_2] : memref<11x2048xf32, #tpu.memory_space<hbm>> -> memref<1x64xf32, #tpu.memory_space<hbm>>
      %dma_wait3A_742 = tpu.memref_squeeze %dma_wait3A_741 : memref<1x64xf32, #tpu.memory_space<hbm>> -> memref<64xf32, #tpu.memory_space<hbm>>
      %dma_wait3A_743 = tpu.memref_slice %arg8[%run_scoped3A_729, %mul3A_2] : memref<11x2048xf32, #tpu.memory_space<hbm>> -> memref<1x64xf32, #tpu.memory_space<hbm>>
      %dma_wait3A_744 = tpu.memref_squeeze %dma_wait3A_743 : memref<1x64xf32, #tpu.memory_space<hbm>> -> memref<64xf32, #tpu.memory_space<hbm>>
      %dma_wait3A_745 = arith.constant 192 : i32
      %dma_wait3A_746 = tpu.memref_slice %arg14[%dma_wait3A_745] : memref<256xf32, #tpu.memory_space<vmem>> -> memref<64xf32, #tpu.memory_space<vmem>>
      tpu.wait_dma2 semaphore(%run_scoped3A_730 : memref<!tpu.dma_semaphore, #tpu.memory_space<semaphore_mem>>) src(%dma_wait3A_746 : memref<64xf32, #tpu.memory_space<vmem>>) dst(%dma_wait3A_744 : memref<64xf32, #tpu.memory_space<hbm>>)
      tpu.yield
    }) : () -> ()
    return
  }
}

module attributes {stable_mosaic.version = 14 : i64} {
  func.func @_tc_sum_body(%arg0: i32, %arg1: i32, %arg2: memref<1x8192x128xf32, #tpu.memory_space<vmem>>, %arg3: memref<1x8192x128xf32, #tpu.memory_space<vmem>>, %arg4: memref<1x8x128xf32, #tpu.memory_space<vmem>>) attributes {dimension_semantics = [#tpu.dimension_semantics<parallel>, #tpu.dimension_semantics<arbitrary>], iteration_bounds = array<i64: 2, 5>, scalar_prefetch = 0 : i64, scratch_operands = 0 : i64, tpu.core_type = #tpu.core_type<tc>, window_params = [{transform_indices = @transform_0, window_bounds = array<i64: 1, 8192, 128>}, {transform_indices = @transform_1, window_bounds = array<i64: 1, 8192, 128>}, {transform_indices = @transform_2, window_bounds = array<i64: 1, 8, 128>}]} {
    %eq3A = arith.constant 0 : i32
    %eq3A_0 = arith.cmpi eq, %arg1, %eq3A : i32
    %convert_element_type3A = arith.extui %eq3A_0 : i1 to i32
    %cond3A = arith.constant 0 : i32
    %cond3A_1 = arith.cmpi ne, %convert_element_type3A, %cond3A : i32
    scf.if %cond3A_1 {
      %broadcast_in_dim3A_47 = arith.constant 0.000000e+00 : f32
      %broadcast_in_dim3A_48 = vector.broadcast %broadcast_in_dim3A_47 : f32 to vector<1x8x128xf32>
      %swap3A_49 = arith.constant 0 : index
      %swap3A_50 = arith.constant 0 : index
      %swap3A_51 = arith.constant 0 : index
      %swap3A_52 = vector.load %arg4[%swap3A_49, %swap3A_50, %swap3A_51] : memref<1x8x128xf32, #tpu.memory_space<vmem>>, vector<1x8x128xf32>
      tpu.vector_store %arg4[%swap3A_49, %swap3A_50, %swap3A_51], %broadcast_in_dim3A_48 {strides = array<i32>} : memref<1x8x128xf32, #tpu.memory_space<vmem>>, vector<1x8x128xf32>,
    } else {
    }
    %get3A = arith.constant 0 : index
    %get3A_2 = arith.constant 0 : index
    %get3A_3 = arith.constant 0 : index
    %get3A_4 = vector.load %arg4[%get3A, %get3A_2, %get3A_3] : memref<1x8x128xf32, #tpu.memory_space<vmem>>, vector<1x8x128xf32>
    %get3A_5 = arith.constant 0 : index
    %get3A_6 = arith.constant 0 : index
    %get3A_7 = arith.constant 0 : index
    %get3A_8 = vector.load %arg2[%get3A_5, %get3A_6, %get3A_7] : memref<1x8192x128xf32, #tpu.memory_space<vmem>>, vector<1x8192x128xf32>
    %get3A_9 = vector.shape_cast %get3A_8 : vector<1x8192x128xf32> to vector<8192x128xf32>
    %neg3A = arith.constant 0.000000e+00 : f32
    %neg3A_10 = vector.broadcast %neg3A : f32 to vector<8192x128xf32>
    %neg3A_11 = arith.subf %neg3A_10, %get3A_9 : vector<8192x128xf32>
    %exp3A = math.exp %neg3A_11 : vector<8192x128xf32>
    %add3A = arith.constant 1.000000e+00 : f32
    %add3A_12 = vector.broadcast %add3A : f32 to vector<8192x128xf32>
    %add3A_13 = arith.addf %add3A_12, %exp3A : vector<8192x128xf32>
    %div3A = arith.constant 1.000000e+00 : f32
    %div3A_14 = vector.broadcast %div3A : f32 to vector<8192x128xf32>
    %div3A_15 = arith.divf %div3A_14, %add3A_13 : vector<8192x128xf32>
    %log3A = math.log %add3A_13 : vector<8192x128xf32>
    %add3A_16 = arith.addf %get3A_9, %log3A : vector<8192x128xf32>
    %mul3A = arith.mulf %add3A_16, %div3A_15 : vector<8192x128xf32>
    %mul3A_17 = arith.mulf %mul3A, %div3A_15 : vector<8192x128xf32>
    %reshape3A = vector.shape_cast %mul3A_17 : vector<8192x128xf32> to vector<1024x8x128xf32>
    %reduce_sum3A = arith.constant dense<0.000000e+00> : vector<8x128xf32>
    %reduce_sum3A_18 = vector.multi_reduction <add>, %reshape3A, %reduce_sum3A [0] : vector<1024x8x128xf32> to vector<8x128xf32>
    %broadcast_in_dim3A = vector.shape_cast %reduce_sum3A_18 : vector<8x128xf32> to vector<1x8x128xf32>
    %get3A_19 = arith.constant 0 : index
    %get3A_20 = arith.constant 0 : index
    %get3A_21 = arith.constant 0 : index
    %get3A_22 = vector.load %arg3[%get3A_19, %get3A_20, %get3A_21] : memref<1x8192x128xf32, #tpu.memory_space<vmem>>, vector<1x8192x128xf32>
    %get3A_23 = vector.shape_cast %get3A_22 : vector<1x8192x128xf32> to vector<8192x128xf32>
    %neg3A_24 = arith.constant 0.000000e+00 : f32
    %neg3A_25 = vector.broadcast %neg3A_24 : f32 to vector<8192x128xf32>
    %neg3A_26 = arith.subf %neg3A_25, %get3A_23 : vector<8192x128xf32>
    %exp3A_27 = math.exp %neg3A_26 : vector<8192x128xf32>
    %add3A_28 = arith.constant 1.000000e+00 : f32
    %add3A_29 = vector.broadcast %add3A_28 : f32 to vector<8192x128xf32>
    %add3A_30 = arith.addf %add3A_29, %exp3A_27 : vector<8192x128xf32>
    %div3A_31 = arith.constant 1.000000e+00 : f32
    %div3A_32 = vector.broadcast %div3A_31 : f32 to vector<8192x128xf32>
    %div3A_33 = arith.divf %div3A_32, %add3A_30 : vector<8192x128xf32>
    %log3A_34 = math.log %add3A_30 : vector<8192x128xf32>
    %add3A_35 = arith.addf %get3A_23, %log3A_34 : vector<8192x128xf32>
    %mul3A_36 = arith.mulf %add3A_35, %div3A_33 : vector<8192x128xf32>
    %mul3A_37 = arith.mulf %mul3A_36, %div3A_33 : vector<8192x128xf32>
    %reshape3A_38 = vector.shape_cast %mul3A_37 : vector<8192x128xf32> to vector<1024x8x128xf32>
    %reduce_sum3A_39 = arith.constant dense<0.000000e+00> : vector<8x128xf32>
    %reduce_sum3A_40 = vector.multi_reduction <add>, %reshape3A_38, %reduce_sum3A_39 [0] : vector<1024x8x128xf32> to vector<8x128xf32>
    %broadcast_in_dim3A_41 = vector.shape_cast %reduce_sum3A_40 : vector<8x128xf32> to vector<1x8x128xf32>
    %add3A_42 = arith.addf %broadcast_in_dim3A, %broadcast_in_dim3A_41 : vector<1x8x128xf32>
    %add3A_43 = arith.addf %get3A_4, %add3A_42 : vector<1x8x128xf32>
    %swap3A = arith.constant 0 : index
    %swap3A_44 = arith.constant 0 : index
    %swap3A_45 = arith.constant 0 : index
    %swap3A_46 = vector.load %arg4[%swap3A, %swap3A_44, %swap3A_45] : memref<1x8x128xf32, #tpu.memory_space<vmem>>, vector<1x8x128xf32>
    tpu.vector_store %arg4[%swap3A, %swap3A_44, %swap3A_45], %add3A_43 {strides = array<i32>} : memref<1x8x128xf32, #tpu.memory_space<vmem>>, vector<1x8x128xf32>,
    return
  }
  func.func @transform_0(%arg0: i32, %arg1: i32) -> (i32, i32, i32) {
    %mul3A = arith.constant 5 : i32
    %mul3A_0 = arith.muli %arg0, %mul3A : i32
    %add3A = arith.addi %mul3A_0, %arg1 : i32
    %c0_i32 = arith.constant 0 : i32
    %c0_i32_1 = arith.constant 0 : i32
    %c0_i32_2 = arith.constant 0 : i32
    return %c0_i32, %add3A, %c0_i32_1 : i32, i32, i32
  }
  func.func @transform_1(%arg0: i32, %arg1: i32) -> (i32, i32, i32) {
    %mul3A = arith.constant 5 : i32
    %mul3A_0 = arith.muli %arg0, %mul3A : i32
    %add3A = arith.addi %mul3A_0, %arg1 : i32
    %c1_i32 = arith.constant 1 : i32
    %c0_i32 = arith.constant 0 : i32
    %c0_i32_1 = arith.constant 0 : i32
    return %c1_i32, %add3A, %c0_i32 : i32, i32, i32
  }
  func.func @transform_2(%arg0: i32, %arg1: i32) -> (i32, i32, i32) {
    %c0_i32 = arith.constant 0 : i32
    %c0_i32_0 = arith.constant 0 : i32
    %c0_i32_1 = arith.constant 0 : i32
    return %arg0, %c0_i32, %c0_i32_0 : i32, i32, i32
  }
}

module attributes {stable_mosaic.version = 14 : i64} {
  func.func @_tc_final_body(%arg0: i32, %arg1: memref<11x16x128xf32, #tpu.memory_space<vmem>>, %arg2: memref<2x8x128xf32, #tpu.memory_space<vmem>>, %arg3: memref<8x128xf32, #tpu.memory_space<vmem>>) attributes {dimension_semantics = [#tpu.dimension_semantics<arbitrary>], iteration_bounds = array<i64: 1>, scalar_prefetch = 0 : i64, scratch_operands = 0 : i64, tpu.core_type = #tpu.core_type<tc>, window_params = [{pipeline_mode = #tpu.pipeline_mode<synchronous>, transform_indices = @transform_0, window_bounds = array<i64: 11, 16, 128>}, {pipeline_mode = #tpu.pipeline_mode<synchronous>, transform_indices = @transform_1, window_bounds = array<i64: 2, 8, 128>}, {pipeline_mode = #tpu.pipeline_mode<synchronous>, transform_indices = @transform_2, window_bounds = array<i64: 8, 128>}]} {
    %get3A = arith.constant 0 : index
    %get3A_0 = arith.constant 0 : index
    %get3A_1 = arith.constant 0 : index
    %get3A_2 = vector.load %arg1[%get3A, %get3A_0, %get3A_1] : memref<11x16x128xf32, #tpu.memory_space<vmem>>, vector<11x16x128xf32>
    %slice3A = vector.extract_strided_slice %get3A_2 {offsets = [0, 0, 0], sizes = [1, 16, 128], strides = [1, 1, 1]} : vector<11x16x128xf32> to vector<1x16x128xf32>
    %squeeze3A = vector.shape_cast %slice3A : vector<1x16x128xf32> to vector<16x128xf32>
    %neg3A = arith.constant 0.000000e+00 : f32
    %neg3A_3 = vector.broadcast %neg3A : f32 to vector<16x128xf32>
    %neg3A_4 = arith.subf %neg3A_3, %squeeze3A : vector<16x128xf32>
    %exp3A = math.exp %neg3A_4 : vector<16x128xf32>
    %add3A = arith.constant 1.000000e+00 : f32
    %add3A_5 = vector.broadcast %add3A : f32 to vector<16x128xf32>
    %add3A_6 = arith.addf %add3A_5, %exp3A : vector<16x128xf32>
    %div3A = arith.constant 1.000000e+00 : f32
    %div3A_7 = vector.broadcast %div3A : f32 to vector<16x128xf32>
    %div3A_8 = arith.divf %div3A_7, %add3A_6 : vector<16x128xf32>
    %log3A = math.log %add3A_6 : vector<16x128xf32>
    %add3A_9 = arith.addf %squeeze3A, %log3A : vector<16x128xf32>
    %mul3A = arith.constant 7.500000e-01 : f32
    %mul3A_10 = vector.broadcast %mul3A : f32 to vector<16x128xf32>
    %mul3A_11 = arith.mulf %mul3A_10, %add3A_9 : vector<16x128xf32>
    %mul3A_12 = arith.mulf %mul3A_11, %div3A_8 : vector<16x128xf32>
    %mul3A_13 = arith.mulf %mul3A_12, %div3A_8 : vector<16x128xf32>
    %mul3A_14 = arith.constant 2.500000e-01 : f32
    %mul3A_15 = vector.broadcast %mul3A_14 : f32 to vector<16x128xf32>
    %mul3A_16 = arith.mulf %mul3A_15, %log3A : vector<16x128xf32>
    %mul3A_17 = arith.mulf %exp3A, %div3A_8 : vector<16x128xf32>
    %mul3A_18 = arith.mulf %mul3A_16, %mul3A_17 : vector<16x128xf32>
    %mul3A_19 = arith.mulf %exp3A, %div3A_8 : vector<16x128xf32>
    %mul3A_20 = arith.mulf %mul3A_18, %mul3A_19 : vector<16x128xf32>
    %slice3A_21 = vector.extract_strided_slice %get3A_2 {offsets = [10, 0, 0], sizes = [1, 16, 128], strides = [1, 1, 1]} : vector<11x16x128xf32> to vector<1x16x128xf32>
    %squeeze3A_22 = vector.shape_cast %slice3A_21 : vector<1x16x128xf32> to vector<16x128xf32>
    %broadcast_in_dim3A = arith.constant -1.000000e+00 : f32
    %broadcast_in_dim3A_23 = vector.broadcast %broadcast_in_dim3A : f32 to vector<16x1xf32>
    %slice3A_24 = vector.extract_strided_slice %squeeze3A_22 {offsets = [0, 0], sizes = [16, 127], strides = [1, 1]} : vector<16x128xf32> to vector<16x127xf32>
    %concatenate3A = tpu.concatenate %broadcast_in_dim3A_23, %slice3A_24 in 1 : vector<16x1xf32>, vector<16x127xf32> -> vector<16x128xf32>
    %broadcast_in_dim3A_25 = arith.constant -1.000000e+00 : f32
    %broadcast_in_dim3A_26 = vector.broadcast %broadcast_in_dim3A_25 : f32 to vector<1x1xf32>
    %slice3A_27 = vector.extract_strided_slice %squeeze3A_22 {offsets = [0, 127], sizes = [15, 1], strides = [1, 1]} : vector<16x128xf32> to vector<15x1xf32>
    %concatenate3A_28 = tpu.concatenate %broadcast_in_dim3A_26, %slice3A_27 in 0 : vector<1x1xf32>, vector<15x1xf32> -> vector<16x1xf32>
    %iota3A = tpu.iota {dimensions = array<i32: 1>} : vector<16x128xi32>
    %eq3A = arith.constant 0 : i32
    %eq3A_29 = vector.broadcast %eq3A : i32 to vector<16x128xi32>
    %eq3A_30 = arith.cmpi eq, %iota3A, %eq3A_29 : vector<16x128xi32>
    %broadcast_in_dim3A_31 = vector.shape_cast %concatenate3A_28 : vector<16x1xf32> to vector<16x1xf32>
    %broadcast_in_dim3A_32 = vector.broadcast %broadcast_in_dim3A_31 : vector<16x1xf32> to vector<16x128xf32>
    %select_n3A = arith.select %eq3A_30, %broadcast_in_dim3A_32, %concatenate3A : vector<16x128xi1>, vector<16x128xf32>
    %ne3A = arith.cmpf one, %squeeze3A_22, %select_n3A : vector<16x128xf32>
    %sub3A = arith.subf %mul3A_20, %mul3A_13 : vector<16x128xf32>
    %jit3A = arith.constant 0.000000e+00 : f32
    %broadcast_in_dim3A_33 = vector.broadcast %jit3A : f32 to vector<16x128xf32>
    %select_n3A_34 = arith.select %ne3A, %sub3A, %broadcast_in_dim3A_33 : vector<16x128xi1>, vector<16x128xf32>
    %reduce_sum3A = vector.shape_cast %select_n3A_34 : vector<16x128xf32> to vector<1x16x128xf32>
    %reduce_sum3A_35 = arith.constant dense<0.000000e+00> : vector<1xf32>
    %reduce_sum3A_36 = vector.multi_reduction <add>, %reduce_sum3A, %reduce_sum3A_35 [1, 2] : vector<1x16x128xf32> to vector<1xf32>
    %reduce_sum3A_37 = vector.shape_cast %reduce_sum3A_36 : vector<1xf32> to vector<1x1x1xf32>
    %reduce_sum3A_38 = vector.extract %reduce_sum3A_37[0, 0, 0] : f32 from vector<1x1x1xf32>
    %get3A_39 = arith.constant 0 : index
    %get3A_40 = arith.constant 0 : index
    %get3A_41 = arith.constant 0 : index
    %get3A_42 = vector.load %arg2[%get3A_39, %get3A_40, %get3A_41] : memref<2x8x128xf32, #tpu.memory_space<vmem>>, vector<2x8x128xf32>
    %reduce_sum3A_43 = vector.shape_cast %get3A_42 : vector<2x8x128xf32> to vector<1x2x8x128xf32>
    %reduce_sum3A_44 = arith.constant dense<0.000000e+00> : vector<1xf32>
    %reduce_sum3A_45 = vector.multi_reduction <add>, %reduce_sum3A_43, %reduce_sum3A_44 [1, 2, 3] : vector<1x2x8x128xf32> to vector<1xf32>
    %reduce_sum3A_46 = vector.shape_cast %reduce_sum3A_45 : vector<1xf32> to vector<1x1x1x1xf32>
    %reduce_sum3A_47 = vector.extract %reduce_sum3A_46[0, 0, 0, 0] : f32 from vector<1x1x1x1xf32>
    %mul3A_48 = arith.constant 7.500000e-01 : f32
    %mul3A_49 = arith.mulf %mul3A_48, %reduce_sum3A_47 : f32
    %add3A_50 = arith.addf %mul3A_49, %reduce_sum3A_38 : f32
    %div3A_51 = arith.constant 2.048000e+03 : f32
    %div3A_52 = arith.divf %add3A_50, %div3A_51 : f32
    %slice3A_53 = vector.extract_strided_slice %get3A_2 {offsets = [2, 0, 0], sizes = [1, 16, 128], strides = [1, 1, 1]} : vector<11x16x128xf32> to vector<1x16x128xf32>
    %squeeze3A_54 = vector.shape_cast %slice3A_53 : vector<1x16x128xf32> to vector<16x128xf32>
    %slice3A_55 = vector.extract_strided_slice %get3A_2 {offsets = [3, 0, 0], sizes = [1, 16, 128], strides = [1, 1, 1]} : vector<11x16x128xf32> to vector<1x16x128xf32>
    %squeeze3A_56 = vector.shape_cast %slice3A_55 : vector<1x16x128xf32> to vector<16x128xf32>
    %slice3A_57 = vector.extract_strided_slice %get3A_2 {offsets = [4, 0, 0], sizes = [1, 16, 128], strides = [1, 1, 1]} : vector<11x16x128xf32> to vector<1x16x128xf32>
    %squeeze3A_58 = vector.shape_cast %slice3A_57 : vector<1x16x128xf32> to vector<16x128xf32>
    %slice3A_59 = vector.extract_strided_slice %get3A_2 {offsets = [5, 0, 0], sizes = [1, 16, 128], strides = [1, 1, 1]} : vector<11x16x128xf32> to vector<1x16x128xf32>
    %squeeze3A_60 = vector.shape_cast %slice3A_59 : vector<1x16x128xf32> to vector<16x128xf32>
    %slice3A_61 = vector.extract_strided_slice %get3A_2 {offsets = [6, 0, 0], sizes = [1, 16, 128], strides = [1, 1, 1]} : vector<11x16x128xf32> to vector<1x16x128xf32>
    %squeeze3A_62 = vector.shape_cast %slice3A_61 : vector<1x16x128xf32> to vector<16x128xf32>
    %slice3A_63 = vector.extract_strided_slice %get3A_2 {offsets = [7, 0, 0], sizes = [1, 16, 128], strides = [1, 1, 1]} : vector<11x16x128xf32> to vector<1x16x128xf32>
    %squeeze3A_64 = vector.shape_cast %slice3A_63 : vector<1x16x128xf32> to vector<16x128xf32>
    %slice3A_65 = vector.extract_strided_slice %get3A_2 {offsets = [8, 0, 0], sizes = [1, 16, 128], strides = [1, 1, 1]} : vector<11x16x128xf32> to vector<1x16x128xf32>
    %squeeze3A_66 = vector.shape_cast %slice3A_65 : vector<1x16x128xf32> to vector<16x128xf32>
    %slice3A_67 = vector.extract_strided_slice %get3A_2 {offsets = [9, 0, 0], sizes = [1, 16, 128], strides = [1, 1, 1]} : vector<11x16x128xf32> to vector<1x16x128xf32>
    %squeeze3A_68 = vector.shape_cast %slice3A_67 : vector<1x16x128xf32> to vector<16x128xf32>
    %min3A = arith.minimumf %squeeze3A_62, %squeeze3A_66 : vector<16x128xf32>
    %max3A = arith.maximumf %squeeze3A_62, %squeeze3A_66 : vector<16x128xf32>
    %min3A_69 = arith.minimumf %squeeze3A_64, %squeeze3A_68 : vector<16x128xf32>
    %max3A_70 = arith.maximumf %squeeze3A_64, %squeeze3A_68 : vector<16x128xf32>
    %div3A_71 = arith.divf %min3A, %max3A : vector<16x128xf32>
    %div3A_72 = arith.divf %min3A_69, %max3A_70 : vector<16x128xf32>
    %mul3A_73 = arith.mulf %div3A_71, %div3A_72 : vector<16x128xf32>
    %sqrt3A = math.sqrt %mul3A_73 : vector<16x128xf32>
    %reduce_sum3A_74 = vector.shape_cast %sqrt3A : vector<16x128xf32> to vector<1x16x128xf32>
    %reduce_sum3A_75 = arith.constant dense<0.000000e+00> : vector<1xf32>
    %reduce_sum3A_76 = vector.multi_reduction <add>, %reduce_sum3A_74, %reduce_sum3A_75 [1, 2] : vector<1x16x128xf32> to vector<1xf32>
    %reduce_sum3A_77 = vector.shape_cast %reduce_sum3A_76 : vector<1xf32> to vector<1x1x1xf32>
    %reduce_sum3A_78 = vector.extract %reduce_sum3A_77[0, 0, 0] : f32 from vector<1x1x1xf32>
    %max3A_79 = arith.constant 9.99999997E-7 : f32
    %max3A_80 = arith.maximumf %reduce_sum3A_78, %max3A_79 : f32
    %add3A_81 = arith.addf %squeeze3A_62, %squeeze3A_66 : vector<16x128xf32>
    %add3A_82 = arith.addf %squeeze3A_64, %squeeze3A_68 : vector<16x128xf32>
    %mul3A_83 = arith.mulf %add3A_81, %add3A_82 : vector<16x128xf32>
    %add3A_84 = arith.addf %squeeze3A_54, %squeeze3A_58 : vector<16x128xf32>
    %add3A_85 = arith.addf %squeeze3A_56, %squeeze3A_60 : vector<16x128xf32>
    %mul3A_86 = arith.mulf %add3A_84, %add3A_85 : vector<16x128xf32>
    %min3A_87 = arith.minimumf %squeeze3A_54, %squeeze3A_62 : vector<16x128xf32>
    %min3A_88 = arith.minimumf %squeeze3A_58, %squeeze3A_66 : vector<16x128xf32>
    %add3A_89 = arith.addf %min3A_87, %min3A_88 : vector<16x128xf32>
    %min3A_90 = arith.minimumf %squeeze3A_56, %squeeze3A_64 : vector<16x128xf32>
    %min3A_91 = arith.minimumf %squeeze3A_60, %squeeze3A_68 : vector<16x128xf32>
    %add3A_92 = arith.addf %min3A_90, %min3A_91 : vector<16x128xf32>
    %max3A_93 = arith.maximumf %squeeze3A_54, %squeeze3A_62 : vector<16x128xf32>
    %max3A_94 = arith.maximumf %squeeze3A_58, %squeeze3A_66 : vector<16x128xf32>
    %add3A_95 = arith.addf %max3A_93, %max3A_94 : vector<16x128xf32>
    %max3A_96 = arith.maximumf %squeeze3A_56, %squeeze3A_64 : vector<16x128xf32>
    %max3A_97 = arith.maximumf %squeeze3A_60, %squeeze3A_68 : vector<16x128xf32>
    %add3A_98 = arith.addf %max3A_96, %max3A_97 : vector<16x128xf32>
    %mul3A_99 = arith.mulf %add3A_95, %add3A_98 : vector<16x128xf32>
    %add3A_100 = arith.constant 1.000000e-07 : f32
    %add3A_101 = vector.broadcast %add3A_100 : f32 to vector<16x128xf32>
    %add3A_102 = arith.addf %mul3A_99, %add3A_101 : vector<16x128xf32>
    %mul3A_103 = arith.mulf %add3A_89, %add3A_92 : vector<16x128xf32>
    %add3A_104 = arith.addf %mul3A_83, %mul3A_86 : vector<16x128xf32>
    %sub3A_105 = arith.subf %add3A_104, %mul3A_103 : vector<16x128xf32>
    %add3A_106 = arith.constant 1.000000e+00 : f32
    %add3A_107 = vector.broadcast %add3A_106 : f32 to vector<16x128xf32>
    %add3A_108 = arith.addf %mul3A_103, %add3A_107 : vector<16x128xf32>
    %add3A_109 = arith.constant 1.000000e+00 : f32
    %add3A_110 = vector.broadcast %add3A_109 : f32 to vector<16x128xf32>
    %add3A_111 = arith.addf %sub3A_105, %add3A_110 : vector<16x128xf32>
    %div3A_112 = arith.divf %add3A_108, %add3A_111 : vector<16x128xf32>
    %sub3A_113 = arith.subf %add3A_102, %sub3A_105 : vector<16x128xf32>
    %div3A_114 = arith.divf %sub3A_113, %add3A_102 : vector<16x128xf32>
    %sub3A_115 = arith.subf %div3A_112, %div3A_114 : vector<16x128xf32>
    %sub3A_116 = arith.constant 1.000000e+00 : f32
    %sub3A_117 = vector.broadcast %sub3A_116 : f32 to vector<16x128xf32>
    %sub3A_118 = arith.subf %sub3A_117, %sub3A_115 : vector<16x128xf32>
    %mul3A_119 = arith.mulf %sub3A_118, %sqrt3A : vector<16x128xf32>
    %reduce_sum3A_120 = vector.shape_cast %mul3A_119 : vector<16x128xf32> to vector<1x16x128xf32>
    %reduce_sum3A_121 = arith.constant dense<0.000000e+00> : vector<1xf32>
    %reduce_sum3A_122 = vector.multi_reduction <add>, %reduce_sum3A_120, %reduce_sum3A_121 [1, 2] : vector<1x16x128xf32> to vector<1xf32>
    %reduce_sum3A_123 = vector.shape_cast %reduce_sum3A_122 : vector<1xf32> to vector<1x1x1xf32>
    %reduce_sum3A_124 = vector.extract %reduce_sum3A_123[0, 0, 0] : f32 from vector<1x1x1xf32>
    %div3A_125 = arith.divf %reduce_sum3A_124, %max3A_80 : f32
    %slice3A_126 = vector.extract_strided_slice %get3A_2 {offsets = [1, 0, 0], sizes = [1, 16, 128], strides = [1, 1, 1]} : vector<11x16x128xf32> to vector<1x16x128xf32>
    %squeeze3A_127 = vector.shape_cast %slice3A_126 : vector<1x16x128xf32> to vector<16x128xf32>
    %max3A_128 = arith.constant 0.000000e+00 : f32
    %max3A_129 = vector.broadcast %max3A_128 : f32 to vector<16x128xf32>
    %max3A_130 = arith.maximumf %squeeze3A_127, %max3A_129 : vector<16x128xf32>
    %mul3A_131 = arith.mulf %squeeze3A_127, %sqrt3A : vector<16x128xf32>
    %sub3A_132 = arith.subf %max3A_130, %mul3A_131 : vector<16x128xf32>
    %abs3A = math.absf %squeeze3A_127 : vector<16x128xf32>
    %neg3A_133 = arith.constant 0.000000e+00 : f32
    %neg3A_134 = vector.broadcast %neg3A_133 : f32 to vector<16x128xf32>
    %neg3A_135 = arith.subf %neg3A_134, %abs3A : vector<16x128xf32>
    %exp3A_136 = math.exp %neg3A_135 : vector<16x128xf32>
    %log1p3A = math.log1p %exp3A_136 : vector<16x128xf32>
    %add3A_137 = arith.addf %sub3A_132, %log1p3A : vector<16x128xf32>
    %reduce_sum3A_138 = vector.shape_cast %add3A_137 : vector<16x128xf32> to vector<1x16x128xf32>
    %reduce_sum3A_139 = arith.constant dense<0.000000e+00> : vector<1xf32>
    %reduce_sum3A_140 = vector.multi_reduction <add>, %reduce_sum3A_138, %reduce_sum3A_139 [1, 2] : vector<1x16x128xf32> to vector<1xf32>
    %reduce_sum3A_141 = vector.shape_cast %reduce_sum3A_140 : vector<1xf32> to vector<1x1x1xf32>
    %reduce_sum3A_142 = vector.extract %reduce_sum3A_141[0, 0, 0] : f32 from vector<1x1x1xf32>
    %div3A_143 = arith.constant 2.048000e+03 : f32
    %div3A_144 = arith.divf %reduce_sum3A_142, %div3A_143 : f32
    %iota3A_145 = tpu.iota {dimensions = array<i32: 0>} : vector<8x128xi32>
    %iota3A_146 = tpu.iota {dimensions = array<i32: 1>} : vector<8x128xi32>
    %eq3A_147 = arith.constant 0 : i32
    %eq3A_148 = vector.broadcast %eq3A_147 : i32 to vector<8x128xi32>
    %eq3A_149 = arith.cmpi eq, %iota3A_145, %eq3A_148 : vector<8x128xi32>
    %eq3A_150 = arith.constant 0 : i32
    %eq3A_151 = vector.broadcast %eq3A_150 : i32 to vector<8x128xi32>
    %eq3A_152 = arith.cmpi eq, %iota3A_146, %eq3A_151 : vector<8x128xi32>
    %and3A = arith.andi %eq3A_149, %eq3A_152 : vector<8x128xi1>
    %eq3A_153 = arith.constant 0 : i32
    %eq3A_154 = vector.broadcast %eq3A_153 : i32 to vector<8x128xi32>
    %eq3A_155 = arith.cmpi eq, %iota3A_145, %eq3A_154 : vector<8x128xi32>
    %eq3A_156 = arith.constant 1 : i32
    %eq3A_157 = vector.broadcast %eq3A_156 : i32 to vector<8x128xi32>
    %eq3A_158 = arith.cmpi eq, %iota3A_146, %eq3A_157 : vector<8x128xi32>
    %and3A_159 = arith.andi %eq3A_155, %eq3A_158 : vector<8x128xi1>
    %eq3A_160 = arith.constant 0 : i32
    %eq3A_161 = vector.broadcast %eq3A_160 : i32 to vector<8x128xi32>
    %eq3A_162 = arith.cmpi eq, %iota3A_145, %eq3A_161 : vector<8x128xi32>
    %eq3A_163 = arith.constant 2 : i32
    %eq3A_164 = vector.broadcast %eq3A_163 : i32 to vector<8x128xi32>
    %eq3A_165 = arith.cmpi eq, %iota3A_146, %eq3A_164 : vector<8x128xi32>
    %and3A_166 = arith.andi %eq3A_162, %eq3A_165 : vector<8x128xi1>
    %jit3A_167 = arith.constant 0.000000e+00 : f32
    %broadcast_in_dim3A_168 = vector.broadcast %div3A_144 : f32 to vector<8x128xf32>
    %broadcast_in_dim3A_169 = vector.broadcast %jit3A_167 : f32 to vector<8x128xf32>
    %select_n3A_170 = arith.select %and3A_166, %broadcast_in_dim3A_168, %broadcast_in_dim3A_169 : vector<8x128xi1>, vector<8x128xf32>
    %broadcast_in_dim3A_171 = vector.broadcast %div3A_125 : f32 to vector<8x128xf32>
    %select_n3A_172 = arith.select %and3A_159, %broadcast_in_dim3A_171, %select_n3A_170 : vector<8x128xi1>, vector<8x128xf32>
    %broadcast_in_dim3A_173 = vector.broadcast %div3A_52 : f32 to vector<8x128xf32>
    %select_n3A_174 = arith.select %and3A, %broadcast_in_dim3A_173, %select_n3A_172 : vector<8x128xi1>, vector<8x128xf32>
    %swap3A = arith.constant 0 : index
    %swap3A_175 = arith.constant 0 : index
    %swap3A_176 = vector.load %arg3[%swap3A, %swap3A_175] : memref<8x128xf32, #tpu.memory_space<vmem>>, vector<8x128xf32>
    tpu.vector_store %arg3[%swap3A, %swap3A_175], %select_n3A_174 {strides = array<i32>} : memref<8x128xf32, #tpu.memory_space<vmem>>, vector<8x128xf32>,
    return
  }
  func.func @transform_0(%arg0: i32) -> (i32, i32, i32) {
    %c0_i32 = arith.constant 0 : i32
    %c0_i32_0 = arith.constant 0 : i32
    %c0_i32_1 = arith.constant 0 : i32
    %c0_i32_2 = arith.constant 0 : i32
    return %c0_i32, %c0_i32_0, %c0_i32_1 : i32, i32, i32
  }
  func.func @transform_1(%arg0: i32) -> (i32, i32, i32) {
    %c0_i32 = arith.constant 0 : i32
    %c0_i32_0 = arith.constant 0 : i32
    %c0_i32_1 = arith.constant 0 : i32
    %c0_i32_2 = arith.constant 0 : i32
    return %c0_i32, %c0_i32_0, %c0_i32_1 : i32, i32, i32
  }
  func.func @transform_2(%arg0: i32) -> (i32, i32) {
    %c0_i32 = arith.constant 0 : i32
    %c0_i32_0 = arith.constant 0 : i32
    %c0_i32_1 = arith.constant 0 : i32
    return %c0_i32, %c0_i32_0 : i32, i32
  }
}

</mosaic_0001>

<sc_bundles>
// kernel: kernel.5.cloned.1.call-start
scs
__scs_entry_jumppad:
0x0: {  	(pc) =	sbr.rel $0x88, $3  }
0x1: {  	(tag) =	ssettag $0x0;
	lr =	simm.s32 $0x1  }
0x2: {  	[smem:$0x3F9B] =	sst lr;
	_ =	strace $0xD0000000  }
0x3: {  	_ = 	snop  }
0x4: {  	_ = 	snop  }
0x5: {  	_ = 	snop  }
0x6: {  	_ = 	snop  }
0x7: {  	_ = 	snop  }
__scs_overlays_trampoline_lowered:
0x8: {  	[smem:$0x3FAA] =	sst s0  }
0x9: {  	[smem:$0x3FAB] =	sst s1  }
0xa: {  	[smem:$0x3FAC] =	sst s2  }
0xb: {  	[smem:$0x3FAD] =	sst s3  }
0xc: {  	[smem:$0x3FAE] =	sst s4  }
0xd: {  	[smem:$0x3FAF] =	sst s5  }
0xe: {  	[smem:$0x3FB0] =	sst s6  }
0xf: {  	[smem:$0x3FB1] =	sst s7  }
0x10: {  	[smem:$0x3FB2] =	sst s8  }
0x11: {  	[smem:$0x3FB3] =	sst s9;
	s0 =	simm.s32 @!p0 $0x0  }
0x12: {  	s1 =	sld [smem:$0x3F99];
	s0 =	simm.s32 @p0 $0x1  }
0x13: {  	[smem:$0x3FB4] =	sst s0;
	s0 =	simm.s32 @!p1 $0x0  }
0x14: {  	s2 =	sld [smem:$0x3F98];
	s0 =	simm.s32 @p1 $0x1  }
0x15: {  	[smem:$0x3FB5] =	sst s0;
	s0 =	simm.s32 @!p2 $0x0  }
0x16: {  	s3 =	sld [smem:$0x3FDB];
	s0 =	simm.s32 @p2 $0x1  }
0x17: {  	s4 =	simm.s32 $0x1BF5;
	[smem:$0x3FB7] =	sst s0  }
0x18: {  	s0 =	sld [smem:$0x3F9A];
	_ =	swait.ge [sflag:s4], $0x0  }
0x19: {  	s7 =	sld [smem:$0x3F9B]  }
0x1a: {  	s8 =	sadd.s32 $0xFFFFE003, lr  }
0x1b: {  	s9 =	sadd.s32 $0xFFFFFEF7, lr;
	s5 =	simm.s32 $0xFFFFFFFF;
	p2 =	slt.u32 s8, $0xFFFFF086  }
0x1c: {  	p1 =	slt.u32 s9, $0xF7A;
	s5 =	simm.s32 @!p2 $0x0  }
0x1d: {  	s5 =	simm.s32 @p1 $0x1;
	p0 =	seq.s32 s7, s2  }
0x1e: {  	s7 =	smul.u32 @!p0 $0xF7A, s2;
	p2 =	seq.s32 @!p0 s5, $0x0  }
0x1f: {  	s9 =	smul.u32 $0xF7A, s1;
	s8 =	simm.s32 @!p0 $0x1BF5;
	p2 =	por !p2, p0  }
0x20: {  	[sflag:s8] =	ssyncset.s32 @!p0 $0xFFFFF086;
	s6 =	sadd.s32 @!p0 s3, s7;
	s7 =	simm.s32 @!p0 $0x108  }
0x21: {  	s3 =	sadd.s32 s3, s9;
	s6 =	sadd.s32 @!p0 $0x88, s6;
	s7 =	simm.s32 @p2 $0x1082  }
0x22: {  	[simem:s7], [sflag:s8] =	dma.local @!p0 [hbm:s6], $0xF7A  }
0x23: {  	s9 =	sor.u32 $0xD0000000, s2;
	s6 =	simm.s32 $0x108;
	_ =	swait.ge @!p0 [sflag:s8], $0x0  }
0x24: {  	s3 =	sadd.s32 $0x88, s3;
	s6 =	simm.s32 @!p1 $0x1082;
	[sflag:s4] =	ssyncset.s32 $0xFFFFF086  }
0x25: {  	[simem:s6], [sflag:s4] =	dma.local [hbm:s3], $0xF7A  }
0x26: {  	[smem:$0x3F9B] =	sst s1;
	(tag) =	ssettag s2;
	_ =	strace s9  }
0x27: {  	s1 =	sld [smem:$0x3FAB]  }
0x28: {  	s2 =	sld [smem:$0x3FAC]  }
0x29: {  	s4 =	sld [smem:$0x3FAE]  }
0x2a: {  	p0 =	seq.s32 s5, $0x0;
	s5 =	sld [smem:$0x3FAF]  }
0x2b: {  	s6 =	sld [smem:$0x3FB0]  }
0x2c: {  	s7 =	sld [smem:$0x3FB1]  }
0x2d: {  	s3 =	simm.s32 $0x108;
	s8 =	sld [smem:$0x3FB2]  }
0x2e: {  	s3 =	simm.s32 @!p0 $0x1082;
	s9 =	sld [smem:$0x3FB3]  }
0x2f: {  	lr =	sadd.s32 s0, s3;
	s0 =	sld [smem:$0x3FAA]  }
0x30: {  	s3 =	sld [smem:$0x3FAD]  }
0x31: {  	[smem:$0x3FB6] =	sst s10  }
0x32: {  	s10 =	sld [smem:$0x3FB4];
	_ =	sdelay $0x3  }
0x33: {  	p0 =	seq.s32 s10, $0x1;
	s10 =	sld [smem:$0x3FB6];
	_ =	sdelay $0x3  }
0x34: {  	[smem:$0x3FB6] =	sst s10  }
0x35: {  	s10 =	sld [smem:$0x3FB5];
	_ =	sdelay $0x3  }
0x36: {  	p1 =	seq.s32 s10, $0x1;
	s10 =	sld [smem:$0x3FB6];
	_ =	sdelay $0x3  }
0x37: {  	[smem:$0x3FB6] =	sst s10  }
0x38: {  	s10 =	sld [smem:$0x3FB7]  }
0x39: {  	_ = 	snop;
	(pc) =	sbr.ind lr, $3  }
0x3a: {  	_ = 	snop  }
0x3b: {  	_ = 	snop  }
0x3c: {  	p2 =	seq.s32 s10, $0x1;
	s10 =	sld [smem:$0x3FB6]  }
0x3d: {  	_ =	shalt  }
0x3e: {  	_ =	shalt  }
0x3f: {  	_ =	shalt  }
0x40: {  	_ =	shalt  }
0x41: {  	_ =	shalt  }
0x42: {  	_ =	shalt  }
0x43: {  	_ =	shalt  }
0x44: {  	_ =	shalt  }
0x45: {  	_ =	shalt  }
0x46: {  	_ =	shalt  }
0x47: {  	_ =	shalt  }
0x48: {  	_ =	shalt  }
0x49: {  	_ =	shalt  }
0x4a: {  	_ =	shalt  }
0x4b: {  	_ =	shalt  }
0x4c: {  	_ =	shalt  }
0x4d: {  	_ =	shalt  }
0x4e: {  	_ =	shalt  }
0x4f: {  	_ =	shalt  }
0x50: {  	_ =	shalt  }
0x51: {  	_ =	shalt  }
0x52: {  	_ =	shalt  }
0x53: {  	_ =	shalt  }
0x54: {  	_ =	shalt  }
0x55: {  	_ =	shalt  }
0x56: {  	_ =	shalt  }
0x57: {  	_ =	shalt  }
0x58: {  	_ =	shalt  }
0x59: {  	_ =	shalt  }
0x5a: {  	_ =	shalt  }
0x5b: {  	_ =	shalt  }
0x5c: {  	_ =	shalt  }
0x5d: {  	_ =	shalt  }
0x5e: {  	_ =	shalt  }
0x5f: {  	_ =	shalt  }
0x60: {  	_ =	shalt  }
0x61: {  	_ =	shalt  }
0x62: {  	_ =	shalt  }
0x63: {  	_ =	shalt  }
0x64: {  	_ =	shalt  }
0x65: {  	_ =	shalt  }
0x66: {  	_ =	shalt  }
0x67: {  	_ =	shalt  }
0x68: {  	_ =	shalt  }
0x69: {  	_ =	shalt  }
0x6a: {  	_ =	shalt  }
0x6b: {  	_ =	shalt  }
0x6c: {  	_ =	shalt  }
0x6d: {  	_ =	shalt  }
0x6e: {  	_ =	shalt  }
0x6f: {  	_ =	shalt  }
0x70: {  	_ =	shalt  }
0x71: {  	_ =	shalt  }
0x72: {  	_ =	shalt  }
0x73: {  	_ =	shalt  }
0x74: {  	_ =	shalt  }
0x75: {  	_ =	shalt  }
0x76: {  	_ =	shalt  }
0x77: {  	_ =	shalt  }
0x78: {  	_ =	shalt  }
0x79: {  	_ =	shalt  }
0x7a: {  	_ =	shalt  }
0x7b: {  	_ =	shalt  }
0x7c: {  	_ =	shalt  }
0x7d: {  	_ =	shalt  }
0x7e: {  	_ =	shalt  }
0x7f: {  	_ =	shalt  }
0x80: {  	_ =	shalt  }
0x81: {  	_ =	shalt  }
0x82: {  	_ =	shalt  }
0x83: {  	_ =	shalt  }
0x84: {  	_ =	shalt  }
0x85: {  	_ =	shalt  }
0x86: {  	_ =	shalt  }
0x87: {  	_ =	shalt  }
.Lfunc_end0:
.L_simem_size_0:
called_computation_lowered:
.L_overlay_start_0:
0x88: {  	s2 =	sld [smem:$0x3FD9]  }
0x89: {  	s3 =	sld [smem:$0x3FFE];
	_ =	sdelay $0x1  }
0x8a: {  	s1 =	srdreg.scid  }
0x8b: {  	s0 =	sand.u32 $0x1, s1  }
0x8c: {  	s17 =	sshll.u32 s0, $0xA;
	s2 =	sadd.s32 s3, s2  }
0x8d: {  	s2 =	sadd.s32 s2, s17  }
0x8e: {  	[smem:$0x3FC2] =	sst s2  }
0x8f: {  	_ = 	snop  }
0x90: {  	s2 =	sld [smem:$0x3FC9]  }
0x91: {  	s18 =	sld [smem:$0x3FC8]  }
0x92: {  	s4 =	sld [smem:$0x3FC7]  }
0x93: {  	s5 =	sld [smem:$0x3FC6]  }
0x94: {  	s6 =	sld [smem:$0x3FC4];
	(tm) =	ssettm $0x1  }
0x95: {  	s7 =	sld [smem:$0x3FFB];
	_ =	sdelay $0x3  }
0x96: {  	_ =	strace s7  }
0x97: {  	s7 =	sld [smem:$0x3FFC];
	_ =	sdelay $0x3  }
0x98: {  	_ =	strace s7  }
0x99: {  	s7 =	sld [smem:$0x3FFD];
	_ =	sdelay $0x3  }
0x9a: {  	_ =	strace s7  }
0x9b: {  	_ =	strace $0x8FFFFFFF  }
0x9c: {  	s19 =	sld [smem:$0x3FDB];
	_ =	sdelay $0x1  }
0x9d: {  	s8 =	simm.s32 $_scs_section_size  }
0x9e: {  	s9 =	simm.s32 $_size__tile_overlayer_lowered;
	s10 =	simm.s32 $_tile_overlayer_lowered  }
0x9f: {  	s22 =	simm.s32 $0x1BFF;
	s21 =	sshll.u32 s10, $0x1;
	s7 =	sadd.s32 s8, s19  }
0xa0: {  	s11 =	simm.s32 $0x0;
	s20 =	sshll.u32 s9, $0x1;
	s9 =	sadd.s32 s21, s7  }
0xa1: {  	[timem:s11], [sflag:s22] =	dma.local [hbm:s9], s20  }
0xa2: {  	_ =	swait.ge [sflag:s22], s20  }
0xa3: {  	s8 =	ssub.s32 $0x0, s20;
	[sflag:s22] =	ssyncset.done $0x0  }
0xa4: {  	[sflag:s22] =	ssyncadd.s32 s8;
	_ =	sdelay $0x1  }
0xa5: {  	s23 =	simm.s32 $0x1B8B  }
0xa6: {  	_ =	swait.ge [sflag:s23], $0x1  }
0xa7: {  	[sflag:s23] =	ssyncset.done $0x0  }
0xa8: {  	s25 =	simm.s32 $0x1B8E;
	s24 =	sld [smem:$0x3FFE];
	[sflag:s23] =	ssyncadd.s32 $0xFFFFFFFF  }
0xa9: {  	s26 =	simm.s32 $execute0_lowered;
	[smem:$0x3FD2] =	sst s25  }
0xaa: {  	s9 =	sshll.u32 s26, $0x1;
	_ =	strace $0x80000046;
	[dreg:$0x1] =	wrdreg $0xFFFFFFFF  }
0xab: {  	s28 =	simm.s32 $_size_execute0_lowered;
	s7 =	sadd.s32 s7, s9;
	[dreg:$0x0] =	wrdreg $0x0  }
0xac: {  	s9 =	sshll.u32 s28, $0x1;
	[dreg:$0x2] =	wrdreg s7  }
0xad: {  	[dreg:$0x3] =	wrdreg s9  }
0xae: {  	[dreg:$0x4] =	wrdreg $0xC0  }
0xaf: {  	_ =	task [dreg:s11], $0x5FFFF  }
0xb0: {  	[dreg:$0x1] =	wrdreg $0xFFFFFFFF  }
0xb1: {  	[dreg:$0x0] =	wrdreg $0x60  }
0xb2: {  	[dreg:$0x2] =	wrdreg s6  }
0xb3: {  	[dreg:$0x3] =	wrdreg s5  }
0xb4: {  	[dreg:$0x4] =	wrdreg s2  }
0xb5: {  	[dreg:$0x5] =	wrdreg s18  }
0xb6: {  	[dreg:$0x6] =	wrdreg s4  }
0xb7: {  	[dreg:$0x7] =	wrdreg s24  }
0xb8: {  	[dreg:$0x8] =	wrdreg $0x9  }
0xb9: {  	_ =	task.clear_ibuf [dreg:s11], $0x9FFFF;
	_ =	strace $0x90000046  }
0xba: {  	s29 =	simm.s32 $0x9;
	_ =	strace $0x80000048  }
0xbb: {  	_ =	swait.ge [sflag:s29], $0x1  }
0xbc: {  	[sflag:s29] =	ssyncadd.s32 $0xFFFFFFFF  }
0xbd: {  	_ =	strace $0x90000048  }
0xbe: {  	_ =	sfence  }
0xbf: {  	s30 =	sld [smem:$0x0];
	_ =	sdelay $0x2  }
0xc0: {  	s31 =	sshll.u32 s1, $0xD;
	s1 =	sshrl.u32 s1, $0x2  }
0xc1: {  	s3 =	sand.u32 $0x4000, s31;
	s1 =	sadd.s32 s1, s30  }
0xc2: {  	s0 =	sor.u32 s3, s0;
	s1 =	sshll.u32 s1, $0x11  }
0xc3: {  	s0 =	sor.u32 s1, s0  }
0xc4: {  	s0 =	sadd.s32 $0x8F2B, s0  }
0xc5: {  	[sflag:s0] =	ssyncadd.remote.s32 $0x1  }
0xc6: {  	_ =	sfence.sel $0xFFFF  }
0xc7: {  	[dreg:$0x0] =	wrdreg $0xFFFFFFFF;
	(pc) =	sbr.abs _section_cstart, $3  }
0xc8: {  	[dreg:$0x1] =	wrdreg $0xFFFFFFFF  }
0xc9: {  	_ =	task.clear_ibuf [dreg:s11], $0x2FFFF;
	_ =	strace $0x9FFFFFFF  }
0xca: {  	(tm) =	ssettm $0x7FFFFFFF  }
0xcb: {  	_ =	shalt  }
tec
execute0_lowered:
.L_overlay_start_1:
0x0: {  	(tag) =	ssettag $0x1  }
0x1: {  	s7 =	rddreg [dreg:$0x0]  }
0x2: {  	s0 =	rddreg [dreg:$0x1]  }
0x3: {  	s1 =	rddreg [dreg:$0x2]  }
0x4: {  	s2 =	rddreg [dreg:$0x3]  }
0x5: {  	s3 =	rddreg [dreg:$0x4]  }
0x6: {  	s5 =	rddreg [dreg:$0x5];
	s4 =	simm.s32 $0x0  }
0x7: {  	s8 =	srdreg.scid;
	s20 =	simm.s32 $0x2;
	s21 =	simm.s32 $0x40  }
0x8: {  	s22 =	simm.s32 $0x80;
	s28 =	simm.s32 $0x300;
	s29 =	simm.s32 $0x340  }
0x9: {  	s30 =	simm.s32 $0x380;
	s31 =	simm.s32 $0x3C0;
	[dreg:$0x7] =	wrdreg s0  }
0xa: {  	[smem:$0x7FF] =	sst s4;
	s6 =	sadd.s32 $0x400400, s5;
	s9 =	sand.u32 $0x1, s8  }
0xb: {  	s16 =	sadd.s32 $0x400, s5;
	s5 =	stileid.u32;
	_ =	strace $0x80000047  }
0xc: {  	s8 =	ssub.s32 $0x2, s9;
	s10 =	sshll.u32 s5, $0x7;
	s11 =	sshll.u32 s9, $0x6  }
0xd: {  	s12 =	sshll.u32 s5, $0xA;
	s25 =	sshll.u32 s9, $0x3;
	s13 =	sshrl.u32 s8, $0x1  }
0xe: {  	s14 =	sor.u32 s11, s10;
	s23 =	sor.u32 s11, s12;
	s19 =	ssub.s32 s8, s13  }
0xf: {  	s24 =	sshrl.u32 s14, $0x3;
	s10 =	sshrl.u32 s23, $0x3;
	s17 =	sor.u32 s25, s14  }
0x10: {  	s23 =	simm.s32 $0x1;
	s25 =	simm.s32 $0x100;
	s7 =	sadd.s32 s7, s24  }
0x11: {  	s8 =	sadd.s32 s16, s10;
	s26 =	sor.u32 $0x40, s17;
	s14 =	sor.u32 $0x50, s17  }
0x12: {  	s15 =	sor.u32 $0x60, s17;
	s17 =	sor.u32 $0x70, s17;
	s19 =	smax.u32 s19, $0x1  }
0x13: {  	s24 =	simm.s32 $0x280;
	s9 =	sadd.s32 $0x820, s8;
	s10 =	sadd.s32 $0x10, s8  }
0x14: {  	s11 =	sadd.s32 $0x20, s8;
	s12 =	sadd.s32 $0x30, s8;
	s13 =	sadd.s32 s16, s26  }
0x15: {  	s14 =	sadd.s32 s16, s14;
	s15 =	sadd.s32 s16, s15;
	s16 =	sadd.s32 s16, s17  }
0x16: {  	s17 =	sadd.s32 $0x800, s8;
	s18 =	sadd.s32 $0x810, s8;
	s26 =	simm.s32 $0x180  }
.LBB2_1:
0x17: {  	[tilespmem:s4], [sflag:$0x2] =	stream.linear.gather [hbm4b:s7+s4], $0x40, $0x38;
	[tilespmem:$0x400] =	vst v63  }
0x18: {  	_ =	swait.ge [sflag:s20], $0x40  }
0x19: {  	[sflag:s20] =	ssyncset.done $0x0  }
0x1a: {  	s0 =	rddreg [dreg:$0x7];
	[sflag:s20] =	ssyncadd.s32 $0xFFFFFFC0  }
0x1b: {  	[tilespmem:s22], [sflag:$0x1] =	stream.indirect.gather [hbm4b:s0+s21], $0x1, s4, s21, $0xb8;
	[tilespmem:$0x400] =	vst v63  }
0x1c: {  	_ =	swait.ge [sflag:s23], $0x40  }
0x1d: {  	[sflag:s23] =	ssyncset.done $0x0  }
0x1e: {  	[sflag:s23] =	ssyncadd.s32 $0xFFFFFFC0  }
0x1f: {  	v0 =	vld [tilespmem:$0x0]  }
0x20: {  	v1 =	vld [tilespmem:$0x10]  }
0x21: {  	v2 =	vld [tilespmem:$0x20]  }
0x22: {  	v3 =	vld [tilespmem:$0x30];
	_ =	sdelay $0x1  }
0x23: {  	v0 =	vcvt.s32.f32 v0  }
0x24: {  	v1 =	vcvt.s32.f32 v1  }
0x25: {  	v8 =	vcvt.s32.f32 v2;
	[tilespmem:$0x280] =	vst v0  }
0x26: {  	v9 =	vcvt.s32.f32 v3;
	[tilespmem:$0x290] =	vst v1  }
0x27: {  	[tilespmem:$0x2A0] =	vst v8  }
0x28: {  	[tilespmem:$0x2B0] =	vst v9  }
0x29: {  	[hbm4b:s9+s4] =	stream.linear.scatter [tilespmem:s24], [sflag:$0x2], $0x40, $0x38;
	[tilespmem:$0x400] =	vst v63  }
0x2a: {  	_ =	swait.ge [sflag:s20], $0x40  }
0x2b: {  	[sflag:s20] =	ssyncset.done $0x0  }
0x2c: {  	[sflag:s20] =	ssyncadd.s32 $0xFFFFFFC0  }
0x2d: {  	[tilespmem:s24], [sflag:$0x1] =	stream.indirect.gather [hbm4b:s3+s21], $0x1, s4, s21, $0xb8;
	[tilespmem:$0x400] =	vst v63  }
0x2e: {  	_ =	swait.ge [sflag:s23], $0x40  }
0x2f: {  	[sflag:s23] =	ssyncset.done $0x0  }
0x30: {  	[sflag:s23] =	ssyncadd.s32 $0xFFFFFFC0  }
0x31: {  	[hbm4b:s10+s4] =	stream.linear.scatter [tilespmem:s24], [sflag:$0x2], $0x40, $0x38;
	[tilespmem:$0x400] =	vst v63  }
0x32: {  	_ =	swait.ge [sflag:s20], $0x40  }
0x33: {  	[sflag:s20] =	ssyncset.done $0x0  }
0x34: {  	[sflag:s20] =	ssyncadd.s32 $0xFFFFFFC0  }
0x35: {  	v10 =	vld [tilespmem:$0x0]  }
0x36: {  	v11 =	vld [tilespmem:$0x80]  }
0x37: {  	v12 =	vld [tilespmem:$0x10]  }
0x38: {  	v13 =	vld [tilespmem:$0x90]  }
0x39: {  	v5 =	vld [tilespmem:$0x20]  }
0x3a: {  	v6 =	vld [tilespmem:$0x30]  }
0x3b: {  	v7 =	vld [tilespmem:$0xA0];
	_ =	sdelay $0x1  }
0x3c: {  	v4 =	vshrl.u32 v10, $0xE;
	v1 =	vshll.u32 v11, $0xE  }
0x3d: {  	v8 =	vld [tilespmem:$0xB0];
	v0 =	vand.u32 $0x3FFF, v10;
	v14 =	vshrl.u32 v12, $0xE;
	v2 =	vand.u32 $0x3FFF, v12  }
0x3e: {  	v3 =	vshll.u32 v13, $0xE;
	v16 =	vshrl.u32 v5, $0xE;
	v4 =	vmul.u32 $0x140000, v4  }
0x3f: {  	v18 =	vshrl.u32 v6, $0xE;
	v19 =	vshll.u32 v7, $0xE;
	v15 =	vmul.u32 $0x140000, v14  }
0x40: {  	v20 =	vand.u32 $0x3FFF, v5;
	v17 =	vmul.u32 $0x140000, v16;
	v1 =	vadd.s32 v1, v4  }
0x41: {  	v4 =	vmul.u32 $0x140000, v18;
	v0 =	vor.u32 v0, v1;
	v1 =	vadd.s32 v3, v15  }
0x42: {  	v21 =	vshll.u32 v8, $0xE;
	v1 =	vor.u32 v2, v1;
	[tilespmem:$0x100] =	vst v0;
	v2 =	vadd.s32 v19, v17  }
0x43: {  	v22 =	vand.u32 $0x3FFF, v6;
	v23 =	vadd.s32 v21, v4;
	[tilespmem:$0x110] =	vst v1;
	v0 =	vor.u32 v20, v2  }
0x44: {  	v24 =	vor.u32 v22, v23;
	[tilespmem:$0x120] =	vst v0  }
0x45: {  	[tilespmem:$0x130] =	vst v24  }
0x46: {  	[tilespmem:s24], [sflag:$0x1] =	stream.indirect.gather [hbm4b:s1+s21], $0x1, s25, s21, $0xb8;
	[tilespmem:$0x400] =	vst v63  }
0x47: {  	_ =	swait.ge [sflag:s23], $0x40  }
0x48: {  	[sflag:s23] =	ssyncset.done $0x0  }
0x49: {  	[sflag:s23] =	ssyncadd.s32 $0xFFFFFFC0  }
0x4a: {  	[hbm4b:s8+s4] =	stream.linear.scatter [tilespmem:s24], [sflag:$0x2], $0x40, $0x38;
	[tilespmem:$0x400] =	vst v63  }
0x4b: {  	_ =	swait.ge [sflag:s20], $0x40  }
0x4c: {  	[sflag:s20] =	ssyncset.done $0x0  }
0x4d: {  	[sflag:s20] =	ssyncadd.s32 $0xFFFFFFC0  }
0x4e: {  	v25 =	vld [tilespmem:$0x0]  }
0x4f: {  	v26 =	vld [tilespmem:$0x10]  }
0x50: {  	v27 =	vld [tilespmem:$0x20]  }
0x51: {  	v29 =	vld [tilespmem:$0x0]  }
0x52: {  	v30 =	vld [tilespmem:$0x30]  }
0x53: {  	v33 =	vld [tilespmem:$0x10]  }
0x54: {  	v34 =	vld [tilespmem:$0x20]  }
0x55: {  	v9 =	vld [tilespmem:$0x30]  }
0x56: {  	v37 =	vld [tilespmem:$0x0]  }
0x57: {  	v11 =	vld [tilespmem:$0x10]  }
0x58: {  	v41 =	vld [tilespmem:$0x20];
	v28 =	vshll.u32 v25, $0x2  }
0x59: {  	v13 =	vld [tilespmem:$0x30];
	v0 =	vand.u32 $0x3FFF, v25;
	v31 =	vand.u32 $0x3FFF, v26;
	v1 =	vshll.u32 v26, $0x2  }
0x5a: {  	v45 =	vld [tilespmem:$0x0];
	v32 =	vshll.u32 v27, $0x2;
	v2 =	vand.u32 $0x3FFF, v27;
	v35 =	vshll.u32 v29, $0x2  }
0x5b: {  	v57 =	vld [tilespmem:$0x20];
	v36 =	vshll.u32 v30, $0x2;
	v4 =	vand.u32 $0x3FFF, v29;
	v5 =	vand.u32 $0x3FFF, v30  }
0x5c: {  	v61 =	vld [tilespmem:$0x30];
	v38 =	vshll.u32 v33, $0x2;
	v7 =	vand.u32 $0x3FFF, v33;
	v10 =	vshll.u32 v34, $0x2  }
0x5d: {  	v39 =	vand.u32 $0x3FFF, v34;
	v42 =	vshll.u32 v9, $0x2;
	v9 =	vand.u32 $0x3FFF, v9  }
0x5e: {  	v12 =	vshll.u32 v37, $0x2;
	v47 =	vand.u32 $0x3FFF, v11;
	v48 =	vshll.u32 v11, $0x2  }
0x5f: {  	v49 =	vshll.u32 v41, $0x2;
	v52 =	vand.u32 $0x3FFF, v41;
	v54 =	vshll.u32 v13, $0x2  }
0x60: {  	v55 =	vand.u32 $0x3FFF, v13;
	v56 =	vshll.u32 v45, $0x2;
	v59 =	vand.u32 $0x3FFF, v45  }
0x61: {  	v15 =	vshll.u32 v57, $0x2;
	v16 =	vand.u32 $0x3FFF, v57;
	v17 =	vshll.u32 v61, $0x2  }
0x62: {  	v19 =	vand.u32 $0x3FFF, v61;
	v3 =	vand.u32 $0xFFFF0000, v28;
	v1 =	vand.u32 $0xFFFF0000, v1  }
0x63: {  	v50 =	vld [tilespmem:$0x10];
	v6 =	vand.u32 $0xFFFF0000, v32;
	v40 =	vand.u32 $0xFFFF0000, v10;
	v0 =	vor.u32 v0, v3  }
0x64: {  	v8 =	vand.u32 $0xFFFF0000, v42;
	v44 =	vand.u32 $0xFFFF0000, v12;
	v1 =	vor.u32 v31, v1;
	[tilespmem:$0x180] =	vst v0  }
0x65: {  	v51 =	vand.u32 $0xFFFF0000, v48;
	v2 =	vor.u32 v2, v6;
	v6 =	vand.u32 $0xFFFF0000, v36;
	[tilespmem:$0x190] =	vst v1  }
0x66: {  	v60 =	vand.u32 $0xFFFF0000, v56;
	v43 =	vor.u32 v8, v9;
	v5 =	vor.u32 v5, v6;
	[tilespmem:$0x1A0] =	vst v2  }
0x67: {  	v3 =	vand.u32 $0xFFFF0000, v35;
	v63 =	vor.u32 v60, v59;
	v0 =	vor.u32 $0x4000, v43;
	[tilespmem:$0x1B0] =	vst v5  }
0x68: {  	v12 =	vand.u32 $0x3FFF, v50;
	v3 =	vor.u32 v3, v4;
	v14 =	vor.u32 $0xC000, v63;
	[tilespmem:$0x1F0] =	vst v0  }
0x69: {  	v8 =	vand.u32 $0xFFFF0000, v49;
	v2 =	vor.u32 v51, v47;
	v3 =	vor.u32 $0x4000, v3;
	[tilespmem:$0x240] =	vst v14  }
0x6a: {  	v6 =	vand.u32 $0xFFFF0000, v38;
	v53 =	vor.u32 v8, v52;
	v10 =	vor.u32 $0x8000, v2;
	[tilespmem:$0x1C0] =	vst v3  }
0x6b: {  	v9 =	vshll.u32 v50, $0x2;
	v6 =	vor.u32 v6, v7;
	v13 =	vor.u32 $0x8000, v53;
	[tilespmem:$0x210] =	vst v10  }
0x6c: {  	v4 =	vand.u32 $0x3FFF, v37;
	v7 =	vor.u32 v40, v39;
	v6 =	vor.u32 $0x4000, v6;
	[tilespmem:$0x220] =	vst v13  }
0x6d: {  	v4 =	vor.u32 v44, v4;
	v5 =	vand.u32 $0xFFFF0000, v54;
	v46 =	vor.u32 $0x4000, v7;
	[tilespmem:$0x1D0] =	vst v6  }
0x6e: {  	v58 =	vor.u32 v5, v55;
	v62 =	vor.u32 $0x8000, v4;
	v5 =	vand.u32 $0xFFFF0000, v9;
	[tilespmem:$0x1E0] =	vst v46  }
0x6f: {  	v3 =	vand.u32 $0xFFFF0000, v15;
	[tilespmem:$0x200] =	vst v62;
	v1 =	vor.u32 $0x8000, v58;
	v2 =	vor.u32 v5, v12  }
0x70: {  	v20 =	vand.u32 $0xFFFF0000, v17;
	v18 =	vor.u32 v3, v16;
	v2 =	vor.u32 $0xC000, v2;
	[tilespmem:$0x230] =	vst v1  }
0x71: {  	v0 =	vor.u32 $0xC000, v18;
	v1 =	vor.u32 v20, v19;
	[tilespmem:$0x250] =	vst v2  }
0x72: {  	[tilespmem:$0x260] =	vst v0;
	v21 =	vor.u32 $0xC000, v1  }
0x73: {  	[tilespmem:$0x270] =	vst v21  }
0x74: {  	[tilespmem:s28], [sflag:$0x1] =	stream.indirect.gather [hbm4b:s2+s25], $0x1, s26, s25, $0xb8;
	[tilespmem:$0x400] =	vst v63  }
0x75: {  	_ =	swait.ge [sflag:s23], $0x100  }
0x76: {  	[sflag:s23] =	ssyncset.done $0x0  }
0x77: {  	[sflag:s23] =	ssyncadd.s32 $0xFFFFFF00  }
0x78: {  	[hbm4b:s11+s4] =	stream.linear.scatter [tilespmem:s28], [sflag:$0x2], $0x40, $0x38;
	[tilespmem:$0x400] =	vst v63  }
0x79: {  	_ =	swait.ge [sflag:s20], $0x40  }
0x7a: {  	[sflag:s20] =	ssyncset.done $0x0  }
0x7b: {  	[sflag:s20] =	ssyncadd.s32 $0xFFFFFFC0  }
0x7c: {  	[hbm4b:s12+s4] =	stream.linear.scatter [tilespmem:s29], [sflag:$0x2], $0x40, $0x38;
	[tilespmem:$0x400] =	vst v63  }
0x7d: {  	_ =	swait.ge [sflag:s20], $0x40  }
0x7e: {  	[sflag:s20] =	ssyncset.done $0x0  }
0x7f: {  	[sflag:s20] =	ssyncadd.s32 $0xFFFFFFC0  }
0x80: {  	[hbm4b:s13+s4] =	stream.linear.scatter [tilespmem:s30], [sflag:$0x2], $0x40, $0x38;
	[tilespmem:$0x400] =	vst v63  }
0x81: {  	_ =	swait.ge [sflag:s20], $0x40  }
0x82: {  	[sflag:s20] =	ssyncset.done $0x0  }
0x83: {  	[sflag:s20] =	ssyncadd.s32 $0xFFFFFFC0  }
0x84: {  	[hbm4b:s14+s4] =	stream.linear.scatter [tilespmem:s31], [sflag:$0x2], $0x40, $0x38;
	[tilespmem:$0x400] =	vst v63  }
0x85: {  	_ =	swait.ge [sflag:s20], $0x40  }
0x86: {  	[sflag:s20] =	ssyncset.done $0x0  }
0x87: {  	[sflag:s20] =	ssyncadd.s32 $0xFFFFFFC0  }
0x88: {  	v22 =	vld [tilespmem:$0x0]  }
0x89: {  	v23 =	vld [tilespmem:$0x10]  }
0x8a: {  	v24 =	vld [tilespmem:$0x20]  }
0x8b: {  	v25 =	vld [tilespmem:$0x30]  }
0x8c: {  	v26 =	vld [tilespmem:$0x0]  }
0x8d: {  	v27 =	vld [tilespmem:$0x10]  }
0x8e: {  	v28 =	vld [tilespmem:$0x20];
	v0 =	vshll.u32 v22, $0x2  }
0x8f: {  	v30 =	vld [tilespmem:$0x30];
	v29 =	vshll.u32 v23, $0x2;
	[tilespmem:$0x180] =	vst v0  }
0x90: {  	v32 =	vld [tilespmem:$0x0];
	v31 =	vshll.u32 v24, $0x2;
	[tilespmem:$0x190] =	vst v29  }
0x91: {  	v35 =	vld [tilespmem:$0x10];
	v33 =	vshll.u32 v25, $0x2;
	v34 =	vshll.u32 v26, $0x2;
	[tilespmem:$0x1A0] =	vst v31  }
0x92: {  	v38 =	vld [tilespmem:$0x20];
	v37 =	vshll.u32 v27, $0x2;
	[tilespmem:$0x1B0] =	vst v33;
	v36 =	vor.u32 $0x1, v34  }
0x93: {  	v41 =	vld [tilespmem:$0x30];
	v40 =	vshll.u32 v28, $0x2;
	v39 =	vor.u32 $0x1, v37;
	[tilespmem:$0x1C0] =	vst v36  }
0x94: {  	v43 =	vld [tilespmem:$0x0];
	v1 =	vshll.u32 v30, $0x2;
	v42 =	vor.u32 $0x1, v40;
	[tilespmem:$0x1D0] =	vst v39  }
0x95: {  	v46 =	vld [tilespmem:$0x10];
	v45 =	vshll.u32 v32, $0x2;
	v44 =	vor.u32 $0x1, v1;
	[tilespmem:$0x1E0] =	vst v42  }
0x96: {  	v49 =	vld [tilespmem:$0x20];
	v48 =	vshll.u32 v35, $0x2;
	v47 =	vor.u32 $0x2, v45;
	[tilespmem:$0x1F0] =	vst v44  }
0x97: {  	v52 =	vld [tilespmem:$0x30];
	v51 =	vshll.u32 v38, $0x2;
	v50 =	vor.u32 $0x2, v48;
	[tilespmem:$0x200] =	vst v47  }
0x98: {  	v54 =	vshll.u32 v41, $0x2;
	v53 =	vor.u32 $0x2, v51;
	[tilespmem:$0x210] =	vst v50  }
0x99: {  	v56 =	vshll.u32 v43, $0x2;
	v55 =	vor.u32 $0x2, v54;
	[tilespmem:$0x220] =	vst v53  }
0x9a: {  	v58 =	vshll.u32 v46, $0x2;
	v57 =	vor.u32 $0x3, v56;
	[tilespmem:$0x230] =	vst v55  }
0x9b: {  	v60 =	vshll.u32 v49, $0x2;
	v59 =	vor.u32 $0x3, v58;
	[tilespmem:$0x240] =	vst v57  }
0x9c: {  	v62 =	vshll.u32 v52, $0x2;
	v61 =	vor.u32 $0x3, v60;
	[tilespmem:$0x250] =	vst v59  }
0x9d: {  	v63 =	vor.u32 $0x3, v62;
	[tilespmem:$0x260] =	vst v61  }
0x9e: {  	[tilespmem:$0x270] =	vst v63  }
0x9f: {  	[tilespmem:s28], [sflag:$0x1] =	stream.indirect.gather [hbm4b:s6+s25], $0x1, s26, s25, $0xb8;
	[tilespmem:$0x400] =	vst v63  }
0xa0: {  	_ =	swait.ge [sflag:s23], $0x100  }
0xa1: {  	[sflag:s23] =	ssyncset.done $0x0  }
0xa2: {  	[sflag:s23] =	ssyncadd.s32 $0xFFFFFF00  }
0xa3: {  	[hbm4b:s15+s4] =	stream.linear.scatter [tilespmem:s28], [sflag:$0x2], $0x40, $0x38;
	[tilespmem:$0x400] =	vst v63  }
0xa4: {  	_ =	swait.ge [sflag:s20], $0x40  }
0xa5: {  	[sflag:s20] =	ssyncset.done $0x0  }
0xa6: {  	[sflag:s20] =	ssyncadd.s32 $0xFFFFFFC0  }
0xa7: {  	[hbm4b:s16+s4] =	stream.linear.scatter [tilespmem:s29], [sflag:$0x2], $0x40, $0x38;
	[tilespmem:$0x400] =	vst v63  }
0xa8: {  	_ =	swait.ge [sflag:s20], $0x40  }
0xa9: {  	[sflag:s20] =	ssyncset.done $0x0  }
0xaa: {  	[sflag:s20] =	ssyncadd.s32 $0xFFFFFFC0  }
0xab: {  	[hbm4b:s17+s4] =	stream.linear.scatter [tilespmem:s30], [sflag:$0x2], $0x40, $0x38;
	[tilespmem:$0x400] =	vst v63  }
0xac: {  	_ =	swait.ge [sflag:s20], $0x40  }
0xad: {  	p0 =	sne.s32 s19, $0x1;
	[sflag:s20] =	ssyncset.done $0x0  }
.Ltmp0:
0xae: {  	[sflag:s20] =	ssyncadd.s32 $0xFFFFFFC0;
	(pc) =	sbr.rel @p0 .LBB2_1-.Ltmp0, $4  }
0xaf: {  	[hbm4b:s18+s4] =	stream.linear.scatter [tilespmem:s31], [sflag:$0x2], $0x40, $0x38;
	[tilespmem:$0x400] =	vst v63  }
0xb0: {  	_ =	swait.ge [sflag:s20], $0x40  }
0xb1: {  	[sflag:s20] =	ssyncset.done $0x0  }
0xb2: {  	s19 =	sadd.s32 $0xFFFFFFFF, s19;
	[sflag:s20] =	ssyncadd.s32 $0xFFFFFFC0  }
0xb3: {  	_ =	sfence.sel $0x180000  }
0xb4: {  	[bflag:$0x0] =	sbarrier.arrive $0xFFFF  }
0xb5: {  	_ =	strace $0x90000047  }
0xb6: {  	[bflag:$0x2] =	sbarrier.arrive $0xFFFF  }
0xb7: {  	p0 =	sne.s32 s5, $0x0;
	s0 =	rddreg [dreg:$0x6]  }
0xb8: {  	s0 =	sadd.s32 @!p0 $0x100000, s0  }
0xb9: {  	[sflag:s0] =	ssyncadd.tile.s32 @!p0 $0x1;
	_ =	shalt  }
.Lfunc_end2:
_tile_overlayer_lowered:
.L_overlay_start_2:
0xba: {  	(tag) =	ssettag $0x2  }
0xbb: {  	s0 =	rddreg [dreg:$0x0];
	s2 =	stileid.u32  }
0xbc: {  	s1 =	rddreg [dreg:$0x1];
	p0 =	sne.s32 s2, $0x0  }
0xbd: {  	s3 =	rddreg [dreg:$0x2];
	[bflag:$0x3] =	sbarrier.arrive $0xFFFF;
	s2 =	simm.s32 @!p0 $0x1C02  }
0xbe: {  	[timem:s3], [sflag:s2] =	dma.local @!p0 [hbm:s0], s1  }
0xbf: {  	s0 =	simm.s32 @!p0 $0x2  }
0xc0: {  	_ =	swait.ge @!p0 [sflag:s0], s1  }
0xc1: {  	s1 =	ssub.s32 @!p0 $0x0, s1;
	[sflag:s0] =	ssyncset.done @!p0 $0x0  }
0xc2: {  	[sflag:s0] =	ssyncadd.s32 @!p0 s1  }
0xc3: {  	[bflag:$0x3] =	sbarrier.arrive $0xFFFF  }
0xc4: {  	_ =	shalt  }

</sc_bundles>
